<compile_context>
chip_gen: v7x
topology: tpu7x:2x2x1
jax: 0.10.2.dev20260603
libtpu: 0.0.44.dev20260713+nightly
codegen_flags: <defaults>
</compile_context>

<pallas_src>
import functools
import math

import jax
import jax.numpy as jnp
from jax import lax
from jax.experimental import pallas as pl
from jax.experimental.pallas import tpu as pltpu
from jax.experimental.pallas import tpu_sc as plsc

N_EMB = 100000
EMB_DIM = 64
SIGMA1 = 1.0
SIGMA2 = 0.1
PI_MIX = 0.5

_BLKL = 6400
_GRIDD = -(-N_EMB // _BLKL)

_NC, _NS = 2, 16
_NW = _NC * _NS
_CH = 128
_B = 4096
_S = 50
_B_TOTAL = _B * _S
_J = _B_TOTAL // (_NW * _CH)


def _dense_body(mu_ref, rho_ref, eps_ref, w_ref, sums_ref, acc_ref):
    step = pl.program_id(0)

    @pl.when(step == 0)
    def _init():
        acc_ref[0] = jnp.float32(0)
        acc_ref[1] = jnp.float32(0)
        acc_ref[2] = jnp.float32(0)

    rho = rho_ref[...]
    eps = eps_ref[...]
    sigma = jax.nn.softplus(rho) + 1e-5
    w = mu_ref[...] + eps * sigma

    eye = jnp.eye(EMB_DIM, dtype=jnp.float32)
    w_rows = jax.lax.dot_general(
        w, eye, (((0,), (0,)), ((), ())), preferred_element_type=jnp.float32
    )
    w_ref[:, 0:EMB_DIM] = w_rows

    valid = N_EMB - step * _BLKL
    mask = lax.broadcasted_iota(jnp.int32, (EMB_DIM, _BLKL), 1) < valid
    zero = jnp.float32(0)
    acc_ref[0] = acc_ref[0] + jnp.sum(jnp.where(mask, jnp.log(sigma), zero))
    acc_ref[1] = acc_ref[1] + jnp.sum(jnp.where(mask, eps * eps, zero))
    acc_ref[2] = acc_ref[2] + jnp.sum(jnp.where(mask, w * w, zero))

    @pl.when(step == _GRIDD - 1)
    def _fin():
        sums_ref[0] = acc_ref[0]
        sums_ref[1] = acc_ref[1]
        sums_ref[2] = acc_ref[2]


_dense = pl.pallas_call(
    _dense_body,
    grid=(_GRIDD,),
    in_specs=[pl.BlockSpec((EMB_DIM, _BLKL), lambda i: (0, i))] * 3,
    out_specs=[
        pl.BlockSpec((_BLKL, 128), lambda i: (i, 0)),
        pl.BlockSpec(memory_space=pltpu.SMEM),
    ],
    out_shape=[
        jax.ShapeDtypeStruct((N_EMB, 128), jnp.float32),
        jax.ShapeDtypeStruct((3,), jnp.float32),
    ],
    scratch_shapes=[pltpu.SMEM((3,), jnp.float32)],
)


_T = (_B_TOTAL // 2) // (_NW * _CH)
_HB = _B // 2


@functools.cache
def _make_sc_gather():
    mesh = plsc.VectorSubcoreMesh(
        core_axis_name="c", subcore_axis_name="s", num_cores=_NC, num_subcores=_NS
    )

    @functools.partial(
        pl.kernel,
        out_type=jax.ShapeDtypeStruct((_B_TOTAL // 2, 128), jnp.float32),
        mesh=mesh,
        scratch_types=[
            pltpu.VMEM((_T, 2, _CH), jnp.int32),
            pltpu.VMEM((_CH, 128), jnp.float32),
            pltpu.VMEM((_CH, 128), jnp.float32),
            pltpu.VMEM((_CH, 128), jnp.float32),
            pltpu.VMEM((_CH, 128), jnp.float32),
            pltpu.SemaphoreType.DMA,
        ],
        compiler_params=pltpu.CompilerParams(use_tc_tiling_on_sc=False),
    )
    def _sc_gather(table_hbm, idx_hbm, out_hbm, idx_v, ga0, gb0, ga1, gb1, sem):
        wid = lax.axis_index("s") * _NC + lax.axis_index("c")
        t0 = wid * _T
        pltpu.sync_copy(idx_hbm.at[wid], idx_v)

        def row0(k):
            t = t0 + k
            return (t // 16) * _HB + (t % 16) * _CH

        def fire(k, ga, gb):
            pltpu.async_copy(table_hbm.at[idx_v.at[k, 0]], ga, sem)
            pltpu.async_copy(table_hbm.at[idx_v.at[k, 1]], gb, sem)

        def drain_scatter(k, ga, gb):
            pltpu.make_async_copy(table_hbm.at[idx_v.at[k, 0]], ga, sem).wait()
            pltpu.make_async_copy(table_hbm.at[idx_v.at[k, 1]], gb, sem).wait()
            r = row0(k)
            pltpu.sync_copy(
                ga.at[:, pl.ds(0, EMB_DIM)],
                out_hbm.at[pl.ds(r, _CH), pl.ds(0, EMB_DIM)],
            )
            pltpu.sync_copy(
                gb.at[:, pl.ds(0, EMB_DIM)],
                out_hbm.at[pl.ds(r, _CH), pl.ds(EMB_DIM, EMB_DIM)],
            )

        fire(0, ga0, gb0)

        def body(g, carry):
            k0 = g * 2
            k1 = k0 + 1
            fire(k1, ga1, gb1)
            drain_scatter(k0, ga0, gb0)

            @pl.when(k0 + 2 < _T)
            def _f():
                fire(k0 + 2, ga0, gb0)

            drain_scatter(k1, ga1, gb1)
            return carry

        lax.fori_loop(0, _T // 2, body, 0)

        if _T % 2:
            drain_scatter(_T - 1, ga0, gb0)

    return _sc_gather


_SPB = 5


def _trans_body(x_ref, o_ref):
    eye = jnp.eye(EMB_DIM, dtype=jnp.float32)
    for h in range(_SPB):
        x = x_ref[h * _HB:(h + 1) * _HB, :]
        ta = jnp.swapaxes(x[:, 0:EMB_DIM], 0, 1)
        tb = jax.lax.dot_general(
            eye, x[:, EMB_DIM:128], (((1,), (1,)), ((), ())),
            preferred_element_type=jnp.float32,
        )
        o_ref[h * EMB_DIM:(h + 1) * EMB_DIM, :] = jnp.concatenate(
            [ta, tb], axis=1
        )


_trans = pl.pallas_call(
    _trans_body,
    grid=(_S // _SPB,),
    in_specs=[pl.BlockSpec((_SPB * _HB, 128), lambda i: (i, 0))],
    out_specs=pl.BlockSpec((_SPB * EMB_DIM, _B), lambda i: (i, 0)),
    out_shape=jax.ShapeDtypeStruct((_S * EMB_DIM, _B), jnp.float32),
)


def kernel(input, mu, rho, eps):
    w2, sums = _dense(mu.T, rho.T, eps.T)

    idx_t = input.T.astype(jnp.int32)
    idx5 = (
        idx_t.reshape(_S, 2, 16, _CH)
        .transpose(0, 2, 1, 3)
        .reshape(_NW, _T, 2, _CH)
    )
    packed = _make_sc_gather()(w2, idx5)

    out_t = _trans(packed)
    after_embed = out_t.reshape(_S, EMB_DIM, _B).transpose(2, 0, 1)

    s_logsig, s_eps2, s_w2 = sums[0], sums[1], sums[2]
    n = float(N_EMB * EMB_DIM)
    c = 0.5 * math.log(2.0 * math.pi)
    log_posterior = -s_logsig - n * c - 0.5 * s_eps2
    mix1 = (
        -n * math.log(SIGMA1) - n * c - 0.5 * s_w2 / (SIGMA1 * SIGMA1)
        + math.log(PI_MIX)
    )
    mix2 = (
        -n * math.log(SIGMA2) - n * c - 0.5 * s_w2 / (SIGMA2 * SIGMA2)
        + math.log(1.0 - PI_MIX)
    )
    log_prior = jnp.logaddexp(mix1, mix2)
    kl = log_posterior - log_prior
    return (after_embed, kl)

# --- scband reference (transcript-rebuilt; emitter-appended) ---
"""Pipeline reference for scband-bayes-embedding-31181462569115 (READ-ONLY COPY).

The authoritative reference and input builder live on the scoring server;
editing this copy changes nothing except your own understanding.
"""

import jax, jax.numpy as jnp
import numpy as np
import math

N_EMB = 100000
EMB_DIM = 64
SIGMA1 = 1.0
SIGMA2 = 0.1
PI_MIX = 0.5


def _normal_logprob(x, mu, sigma):
    return -jnp.log(sigma) - 0.5 * math.log(2.0 * math.pi) - 0.5 * jnp.square((x - mu) / sigma)


def setup_inputs(seed: int = 0) -> dict:
    key = jax.random.key(seed)
    k1, k2, k3, k4 = jax.random.split(key, 4)
    mu = jax.random.uniform(k1, (N_EMB, EMB_DIM), minval=-0.05, maxval=0.05, dtype=jnp.float32)
    rho = jax.random.uniform(k2, (N_EMB, EMB_DIM), minval=-5.0, maxval=-4.0, dtype=jnp.float32)
    eps = jax.random.normal(k3, (N_EMB, EMB_DIM), dtype=jnp.float32)
    indices = jax.random.randint(k4, (4096, 50), 0, 99999, dtype=jnp.int64 if jax.config.read('jax_enable_x64') else jnp.int32)
    return {"input": indices, "mu": mu, "rho": rho, "eps": eps}


def reference(input, mu, rho, eps):
    # sigma = softplus(rho) + 1e-5
    sigma = jax.nn.softplus(rho) + 1e-5
    # reparameterized sample of the embedding table
    weights = mu + eps * sigma
    # KL = log q(w|mu,sigma) - log p(w) with scale-mixture Gaussian prior
    log_posterior = jnp.sum(_normal_logprob(weights, mu, sigma))
    mix1 = jnp.sum(_normal_logprob(weights, 0.0, SIGMA1)) + math.log(PI_MIX)
    mix2 = jnp.sum(_normal_logprob(weights, 0.0, SIGMA2)) + math.log(1.0 - PI_MIX)
    log_prior = jax.scipy.special.logsumexp(jnp.stack([mix1, mix2]))
    kl = log_posterior - log_prior
    # embedding lookup (padding_idx only affects torch backward, not forward values)
    after_embed = jnp.take(weights, input, axis=0)
    return (after_embed, kl)

if __name__ == "__main__":
    import jax
    _d = setup_inputs()
    print(jax.jit(kernel)(*tuple(_d.values())))

</pallas_src>

<mosaic_0001>
#map = affine_map<(d0, d1) -> (0, 0)>
#map1 = affine_map<(d0, d1) -> (0, 0, 0, 0)>
module attributes {stable_mosaic.version = 14 : i64} {
  func.func @_sc_gather(%arg0: i32, %arg1: i32, %arg2: memref<100000x128xf32, #tpu.memory_space<hbm>>, %arg3: memref<32x25x2x128xi32, #tpu.memory_space<hbm>>, %arg4: memref<102400x128xf32, #tpu.memory_space<hbm>>, %arg5: memref<25x2x128xi32, #tpu.memory_space<vmem>>, %arg6: memref<128x128xf32, #tpu.memory_space<vmem>>, %arg7: memref<128x128xf32, #tpu.memory_space<vmem>>, %arg8: memref<128x128xf32, #tpu.memory_space<vmem>>, %arg9: memref<128x128xf32, #tpu.memory_space<vmem>>, %arg10: memref<!tpu.dma_semaphore, #tpu.memory_space<semaphore_mem>>) attributes {dimension_semantics = [#tpu.dimension_semantics<core_parallel>, #tpu.dimension_semantics<subcore_parallel>], iteration_bounds = array<i64: 2, 16>, scalar_prefetch = 0 : i64, scratch_operands = 6 : i64, tpu.core_type = #tpu.core_type<sc_vector_subcore>, window_params = [{transform_indices = #map}, {transform_indices = #map1}, {transform_indices = #map}]} {
    %mul3A = arith.constant 2 : i32
    %mul3A_0 = arith.muli %arg1, %mul3A : i32
    %add3A = arith.addi %mul3A_0, %arg0 : i32
    %mul3A_1 = arith.constant 25 : i32
    %mul3A_2 = arith.muli %add3A, %mul3A_1 : i32
    "tpu.region"() ({
      %run_scoped3A = tpu.sem_alloc : memref<!tpu.dma_semaphore, #tpu.memory_space<semaphore_mem>>
      %dma_start3A_75 = arith.constant 0 : i32
      %dma_start3A_76 = arith.constant 0 : i32
      %dma_start3A_77 = arith.constant 0 : i32
      %dma_start3A_78 = tpu.memref_slice %arg3[%add3A, %dma_start3A_75, %dma_start3A_76, %dma_start3A_77] : memref<32x25x2x128xi32, #tpu.memory_space<hbm>> -> memref<1x25x2x128xi32, #tpu.memory_space<hbm>>
      %dma_start3A_79 = tpu.memref_squeeze %dma_start3A_78 : memref<1x25x2x128xi32, #tpu.memory_space<hbm>> -> memref<25x2x128xi32, #tpu.memory_space<hbm>>
      %dma_start3A_80 = arith.constant 0 : i32
      %dma_start3A_81 = arith.constant 0 : i32
      %dma_start3A_82 = arith.constant 0 : i32
      %dma_start3A_83 = tpu.memref_slice %arg3[%add3A, %dma_start3A_80, %dma_start3A_81, %dma_start3A_82] : memref<32x25x2x128xi32, #tpu.memory_space<hbm>> -> memref<1x25x2x128xi32, #tpu.memory_space<hbm>>
      %dma_start3A_84 = tpu.memref_squeeze %dma_start3A_83 : memref<1x25x2x128xi32, #tpu.memory_space<hbm>> -> memref<25x2x128xi32, #tpu.memory_space<hbm>>
      tpu.enqueue_dma source(%dma_start3A_84 : memref<25x2x128xi32, #tpu.memory_space<hbm>>) target(%arg5 : memref<25x2x128xi32, #tpu.memory_space<vmem>>) target_semaphore(%run_scoped3A : memref<!tpu.dma_semaphore, #tpu.memory_space<semaphore_mem>>)
      %dma_wait3A_85 = arith.constant 0 : i32
      %dma_wait3A_86 = arith.constant 0 : i32
      %dma_wait3A_87 = arith.constant 0 : i32
      %dma_wait3A_88 = tpu.memref_slice %arg3[%add3A, %dma_wait3A_85, %dma_wait3A_86, %dma_wait3A_87] : memref<32x25x2x128xi32, #tpu.memory_space<hbm>> -> memref<1x25x2x128xi32, #tpu.memory_space<hbm>>
      %dma_wait3A_89 = tpu.memref_squeeze %dma_wait3A_88 : memref<1x25x2x128xi32, #tpu.memory_space<hbm>> -> memref<25x2x128xi32, #tpu.memory_space<hbm>>
      %dma_wait3A_90 = arith.constant 0 : i32
      %dma_wait3A_91 = arith.constant 0 : i32
      %dma_wait3A_92 = arith.constant 0 : i32
      %dma_wait3A_93 = tpu.memref_slice %arg3[%add3A, %dma_wait3A_90, %dma_wait3A_91, %dma_wait3A_92] : memref<32x25x2x128xi32, #tpu.memory_space<hbm>> -> memref<1x25x2x128xi32, #tpu.memory_space<hbm>>
      %dma_wait3A_94 = tpu.memref_squeeze %dma_wait3A_93 : memref<1x25x2x128xi32, #tpu.memory_space<hbm>> -> memref<25x2x128xi32, #tpu.memory_space<hbm>>
      tpu.wait_dma2 semaphore(%run_scoped3A : memref<!tpu.dma_semaphore, #tpu.memory_space<semaphore_mem>>) src(%dma_wait3A_94 : memref<25x2x128xi32, #tpu.memory_space<hbm>>) dst(%arg5 : memref<25x2x128xi32, #tpu.memory_space<vmem>>)
      tpu.yield
    }) : () -> ()
    %dma_start3A = arith.constant 0 : i32
    %dma_start3A_3 = arith.constant 0 : i32
    %dma_start3A_4 = arith.constant 0 : i32
    %dma_start3A_5 = tpu.memref_slice %arg5[%dma_start3A, %dma_start3A_3, %dma_start3A_4] : memref<25x2x128xi32, #tpu.memory_space<vmem>> -> memref<1x1x128xi32, #tpu.memory_space<vmem>>
    %dma_start3A_6 = tpu.memref_squeeze %dma_start3A_5 : memref<1x1x128xi32, #tpu.memory_space<vmem>> -> memref<128xi32, #tpu.memory_space<vmem>>
    %dma_start3A_7 = arith.constant 0 : i32
    %dma_start3A_8 = arith.constant 0 : i32
    %dma_start3A_9 = tpu.memref_slice %arg2[%dma_start3A_7, %dma_start3A_8] : memref<100000x128xf32, #tpu.memory_space<hbm>> -> memref<100000x128xf32, #tpu.memory_space<hbm>>
    tpu.enqueue_indirect_dma source(%dma_start3A_9 : memref<100000x128xf32, #tpu.memory_space<hbm>>) target(%arg6 : memref<128x128xf32, #tpu.memory_space<vmem>>) offsets(%dma_start3A_6 : memref<128xi32, #tpu.memory_space<vmem>>) semaphore(%arg10 : memref<!tpu.dma_semaphore, #tpu.memory_space<semaphore_mem>>)
    %dma_start3A_10 = arith.constant 0 : i32
    %dma_start3A_11 = arith.constant 1 : i32
    %dma_start3A_12 = arith.constant 0 : i32
    %dma_start3A_13 = tpu.memref_slice %arg5[%dma_start3A_10, %dma_start3A_11, %dma_start3A_12] : memref<25x2x128xi32, #tpu.memory_space<vmem>> -> memref<1x1x128xi32, #tpu.memory_space<vmem>>
    %dma_start3A_14 = tpu.memref_squeeze %dma_start3A_13 : memref<1x1x128xi32, #tpu.memory_space<vmem>> -> memref<128xi32, #tpu.memory_space<vmem>>
    %dma_start3A_15 = arith.constant 0 : i32
    %dma_start3A_16 = arith.constant 0 : i32
    %dma_start3A_17 = tpu.memref_slice %arg2[%dma_start3A_15, %dma_start3A_16] : memref<100000x128xf32, #tpu.memory_space<hbm>> -> memref<100000x128xf32, #tpu.memory_space<hbm>>
    tpu.enqueue_indirect_dma source(%dma_start3A_17 : memref<100000x128xf32, #tpu.memory_space<hbm>>) target(%arg7 : memref<128x128xf32, #tpu.memory_space<vmem>>) offsets(%dma_start3A_14 : memref<128xi32, #tpu.memory_space<vmem>>) semaphore(%arg10 : memref<!tpu.dma_semaphore, #tpu.memory_space<semaphore_mem>>)
    %scan3A = arith.constant 0 : i32
    %scan3A_18 = arith.constant 0 : i32
    %scan3A_19 = arith.constant 12 : i32
    %scan3A_20 = arith.addi %scan3A_18, %scan3A_19 : i32
    %scan3A_21 = arith.constant 1 : i32
    scf.for %scan3A_75 = %scan3A_18 to %scan3A_20 step %scan3A_21  : i32 {
      %mul3A_76 = arith.constant 2 : i32
      %mul3A_77 = arith.muli %scan3A_75, %mul3A_76 : i32
      %add3A_78 = arith.constant 1 : i32
      %add3A_79 = arith.addi %mul3A_77, %add3A_78 : i32
      %dma_start3A_80 = arith.constant 0 : i32
      %dma_start3A_81 = arith.constant 0 : i32
      %dma_start3A_82 = tpu.memref_slice %arg5[%add3A_79, %dma_start3A_80, %dma_start3A_81] : memref<25x2x128xi32, #tpu.memory_space<vmem>> -> memref<1x1x128xi32, #tpu.memory_space<vmem>>
      %dma_start3A_83 = tpu.memref_squeeze %dma_start3A_82 : memref<1x1x128xi32, #tpu.memory_space<vmem>> -> memref<128xi32, #tpu.memory_space<vmem>>
      %dma_start3A_84 = arith.constant 0 : i32
      %dma_start3A_85 = arith.constant 0 : i32
      %dma_start3A_86 = tpu.memref_slice %arg2[%dma_start3A_84, %dma_start3A_85] : memref<100000x128xf32, #tpu.memory_space<hbm>> -> memref<100000x128xf32, #tpu.memory_space<hbm>>
      tpu.enqueue_indirect_dma source(%dma_start3A_86 : memref<100000x128xf32, #tpu.memory_space<hbm>>) target(%arg8 : memref<128x128xf32, #tpu.memory_space<vmem>>) offsets(%dma_start3A_83 : memref<128xi32, #tpu.memory_space<vmem>>) semaphore(%arg10 : memref<!tpu.dma_semaphore, #tpu.memory_space<semaphore_mem>>)
      %dma_start3A_87 = arith.constant 1 : i32
      %dma_start3A_88 = arith.constant 0 : i32
      %dma_start3A_89 = tpu.memref_slice %arg5[%add3A_79, %dma_start3A_87, %dma_start3A_88] : memref<25x2x128xi32, #tpu.memory_space<vmem>> -> memref<1x1x128xi32, #tpu.memory_space<vmem>>
      %dma_start3A_90 = tpu.memref_squeeze %dma_start3A_89 : memref<1x1x128xi32, #tpu.memory_space<vmem>> -> memref<128xi32, #tpu.memory_space<vmem>>
      %dma_start3A_91 = arith.constant 0 : i32
      %dma_start3A_92 = arith.constant 0 : i32
      %dma_start3A_93 = tpu.memref_slice %arg2[%dma_start3A_91, %dma_start3A_92] : memref<100000x128xf32, #tpu.memory_space<hbm>> -> memref<100000x128xf32, #tpu.memory_space<hbm>>
      tpu.enqueue_indirect_dma source(%dma_start3A_93 : memref<100000x128xf32, #tpu.memory_space<hbm>>) target(%arg9 : memref<128x128xf32, #tpu.memory_space<vmem>>) offsets(%dma_start3A_90 : memref<128xi32, #tpu.memory_space<vmem>>) semaphore(%arg10 : memref<!tpu.dma_semaphore, #tpu.memory_space<semaphore_mem>>)
      %dma_wait3A_94 = arith.constant 0 : i32
      %dma_wait3A_95 = arith.constant 0 : i32
      %dma_wait3A_96 = tpu.memref_slice %arg5[%mul3A_77, %dma_wait3A_94, %dma_wait3A_95] : memref<25x2x128xi32, #tpu.memory_space<vmem>> -> memref<1x1x128xi32, #tpu.memory_space<vmem>>
      %dma_wait3A_97 = tpu.memref_squeeze %dma_wait3A_96 : memref<1x1x128xi32, #tpu.memory_space<vmem>> -> memref<128xi32, #tpu.memory_space<vmem>>
      %dma_wait3A_98 = arith.constant 0 : i32
      %dma_wait3A_99 = arith.constant 0 : i32
      %dma_wait3A_100 = tpu.memref_slice %arg2[%dma_wait3A_98, %dma_wait3A_99] : memref<100000x128xf32, #tpu.memory_space<hbm>> -> memref<100000x128xf32, #tpu.memory_space<hbm>>
      tpu.wait_indirect_dma semaphore(%arg10 : memref<!tpu.dma_semaphore, #tpu.memory_space<semaphore_mem>>) src(%dma_wait3A_100 : memref<100000x128xf32, #tpu.memory_space<hbm>>) dst(%arg6 : memref<128x128xf32, #tpu.memory_space<vmem>>)
      %dma_wait3A_101 = arith.constant 1 : i32
      %dma_wait3A_102 = arith.constant 0 : i32
      %dma_wait3A_103 = tpu.memref_slice %arg5[%mul3A_77, %dma_wait3A_101, %dma_wait3A_102] : memref<25x2x128xi32, #tpu.memory_space<vmem>> -> memref<1x1x128xi32, #tpu.memory_space<vmem>>
      %dma_wait3A_104 = tpu.memref_squeeze %dma_wait3A_103 : memref<1x1x128xi32, #tpu.memory_space<vmem>> -> memref<128xi32, #tpu.memory_space<vmem>>
      %dma_wait3A_105 = arith.constant 0 : i32
      %dma_wait3A_106 = arith.constant 0 : i32
      %dma_wait3A_107 = tpu.memref_slice %arg2[%dma_wait3A_105, %dma_wait3A_106] : memref<100000x128xf32, #tpu.memory_space<hbm>> -> memref<100000x128xf32, #tpu.memory_space<hbm>>
      tpu.wait_indirect_dma semaphore(%arg10 : memref<!tpu.dma_semaphore, #tpu.memory_space<semaphore_mem>>) src(%dma_wait3A_107 : memref<100000x128xf32, #tpu.memory_space<hbm>>) dst(%arg7 : memref<128x128xf32, #tpu.memory_space<vmem>>)
      %add3A_108 = arith.addi %mul3A_2, %mul3A_77 : i32
      %jit3A_109 = arith.constant 16 : i32
      %div3A_110 = arith.divsi %add3A_108, %jit3A_109 : i32
      %sign3A_111 = arith.constant 0 : i32
      %sign3A_112 = arith.cmpi sgt, %add3A_108, %sign3A_111 : i32
      %sign3A_113 = arith.extui %sign3A_112 : i1 to i32
      %sign3A_114 = arith.constant 0 : i32
      %sign3A_115 = arith.cmpi slt, %add3A_108, %sign3A_114 : i32
      %sign3A_116 = arith.extui %sign3A_115 : i1 to i32
      %sign3A_117 = arith.subi %sign3A_113, %sign3A_116 : i32
      %sign3A_118 = arith.constant 0 : i32
      %sign3A_119 = arith.cmpi sgt, %jit3A_109, %sign3A_118 : i32
      %sign3A_120 = arith.extui %sign3A_119 : i1 to i32
      %sign3A_121 = arith.constant 0 : i32
      %sign3A_122 = arith.cmpi slt, %jit3A_109, %sign3A_121 : i32
      %sign3A_123 = arith.extui %sign3A_122 : i1 to i32
      %sign3A_124 = arith.subi %sign3A_120, %sign3A_123 : i32
      %ne3A_125 = arith.cmpi ne, %sign3A_117, %sign3A_124 : i32
      %rem3A_126 = arith.remsi %add3A_108, %jit3A_109 : i32
      %ne3A_127 = arith.constant 0 : i32
      %ne3A_128 = arith.cmpi ne, %rem3A_126, %ne3A_127 : i32
      %and3A_129 = arith.andi %ne3A_125, %ne3A_128 : i1
      %sub3A_130 = arith.constant 1 : i32
      %sub3A_131 = arith.subi %div3A_110, %sub3A_130 : i32
      %select_n3A_132 = arith.select %and3A_129, %sub3A_131, %div3A_110 : i32
      %mul3A_133 = arith.constant 2048 : i32
      %mul3A_134 = arith.muli %select_n3A_132, %mul3A_133 : i32
      %jit3A_135 = arith.constant 16 : i32
      %eq3A_136 = arith.constant 0 : i32
      %eq3A_137 = arith.cmpi eq, %jit3A_135, %eq3A_136 : i32
      %jit3A_138 = arith.constant 1 : i32
      %select_n3A_139 = arith.select %eq3A_137, %jit3A_138, %jit3A_135 : i32
      %rem3A_140 = arith.remsi %add3A_108, %select_n3A_139 : i32
      %ne3A_141 = arith.constant 0 : i32
      %ne3A_142 = arith.cmpi ne, %rem3A_140, %ne3A_141 : i32
      %lt3A_143 = arith.constant 0 : i32
      %lt3A_144 = arith.cmpi slt, %rem3A_140, %lt3A_143 : i32
      %lt3A_145 = arith.constant 0 : i32
      %lt3A_146 = arith.cmpi slt, %select_n3A_139, %lt3A_145 : i32
      %ne3A_147 = arith.xori %lt3A_144, %lt3A_146 : i1
      %and3A_148 = arith.andi %ne3A_147, %ne3A_142 : i1
      %add3A_149 = arith.addi %rem3A_140, %select_n3A_139 : i32
      %select_n3A_150 = arith.select %and3A_148, %add3A_149, %rem3A_140 : i32
      %mul3A_151 = arith.constant 128 : i32
      %mul3A_152 = arith.muli %select_n3A_150, %mul3A_151 : i32
      %add3A_153 = arith.addi %mul3A_134, %mul3A_152 : i32
      "tpu.region"() ({
        %run_scoped3A = tpu.sem_alloc : memref<!tpu.dma_semaphore, #tpu.memory_space<semaphore_mem>>
        %dma_start3A_219 = arith.constant 0 : i32
        %dma_start3A_220 = arith.constant 0 : i32
        %dma_start3A_221 = tpu.memref_slice %arg6[%dma_start3A_219, %dma_start3A_220] : memref<128x128xf32, #tpu.memory_space<vmem>> -> memref<128x64xf32, #tpu.memory_space<vmem>>
        %dma_start3A_222 = arith.constant 0 : i32
        %dma_start3A_223 = tpu.memref_slice %arg4[%add3A_153, %dma_start3A_222] : memref<102400x128xf32, #tpu.memory_space<hbm>> -> memref<128x64xf32, #tpu.memory_space<hbm>>
        %dma_start3A_224 = arith.constant 0 : i32
        %dma_start3A_225 = tpu.memref_slice %arg4[%add3A_153, %dma_start3A_224] : memref<102400x128xf32, #tpu.memory_space<hbm>> -> memref<128x64xf32, #tpu.memory_space<hbm>>
        %dma_start3A_226 = arith.constant 0 : i32
        %dma_start3A_227 = arith.constant 0 : i32
        %dma_start3A_228 = tpu.memref_slice %arg6[%dma_start3A_226, %dma_start3A_227] : memref<128x128xf32, #tpu.memory_space<vmem>> -> memref<128x64xf32, #tpu.memory_space<vmem>>
        tpu.enqueue_dma source(%dma_start3A_228 : memref<128x64xf32, #tpu.memory_space<vmem>>) target(%dma_start3A_225 : memref<128x64xf32, #tpu.memory_space<hbm>>) target_semaphore(%run_scoped3A : memref<!tpu.dma_semaphore, #tpu.memory_space<semaphore_mem>>)
        %dma_wait3A_229 = arith.constant 0 : i32
        %dma_wait3A_230 = arith.constant 0 : i32
        %dma_wait3A_231 = tpu.memref_slice %arg6[%dma_wait3A_229, %dma_wait3A_230] : memref<128x128xf32, #tpu.memory_space<vmem>> -> memref<128x64xf32, #tpu.memory_space<vmem>>
        %dma_wait3A_232 = arith.constant 0 : i32
        %dma_wait3A_233 = tpu.memref_slice %arg4[%add3A_153, %dma_wait3A_232] : memref<102400x128xf32, #tpu.memory_space<hbm>> -> memref<128x64xf32, #tpu.memory_space<hbm>>
        %dma_wait3A_234 = arith.constant 0 : i32
        %dma_wait3A_235 = tpu.memref_slice %arg4[%add3A_153, %dma_wait3A_234] : memref<102400x128xf32, #tpu.memory_space<hbm>> -> memref<128x64xf32, #tpu.memory_space<hbm>>
        %dma_wait3A_236 = arith.constant 0 : i32
        %dma_wait3A_237 = arith.constant 0 : i32
        %dma_wait3A_238 = tpu.memref_slice %arg6[%dma_wait3A_236, %dma_wait3A_237] : memref<128x128xf32, #tpu.memory_space<vmem>> -> memref<128x64xf32, #tpu.memory_space<vmem>>
        tpu.wait_dma2 semaphore(%run_scoped3A : memref<!tpu.dma_semaphore, #tpu.memory_space<semaphore_mem>>) src(%dma_wait3A_238 : memref<128x64xf32, #tpu.memory_space<vmem>>) dst(%dma_wait3A_235 : memref<128x64xf32, #tpu.memory_space<hbm>>)
        tpu.yield
      }) : () -> ()
      "tpu.region"() ({
        %run_scoped3A = tpu.sem_alloc : memref<!tpu.dma_semaphore, #tpu.memory_space<semaphore_mem>>
        %dma_start3A_219 = arith.constant 0 : i32
        %dma_start3A_220 = arith.constant 0 : i32
        %dma_start3A_221 = tpu.memref_slice %arg7[%dma_start3A_219, %dma_start3A_220] : memref<128x128xf32, #tpu.memory_space<vmem>> -> memref<128x64xf32, #tpu.memory_space<vmem>>
        %dma_start3A_222 = arith.constant 64 : i32
        %dma_start3A_223 = tpu.memref_slice %arg4[%add3A_153, %dma_start3A_222] : memref<102400x128xf32, #tpu.memory_space<hbm>> -> memref<128x64xf32, #tpu.memory_space<hbm>>
        %dma_start3A_224 = arith.constant 64 : i32
        %dma_start3A_225 = tpu.memref_slice %arg4[%add3A_153, %dma_start3A_224] : memref<102400x128xf32, #tpu.memory_space<hbm>> -> memref<128x64xf32, #tpu.memory_space<hbm>>
        %dma_start3A_226 = arith.constant 0 : i32
        %dma_start3A_227 = arith.constant 0 : i32
        %dma_start3A_228 = tpu.memref_slice %arg7[%dma_start3A_226, %dma_start3A_227] : memref<128x128xf32, #tpu.memory_space<vmem>> -> memref<128x64xf32, #tpu.memory_space<vmem>>
        tpu.enqueue_dma source(%dma_start3A_228 : memref<128x64xf32, #tpu.memory_space<vmem>>) target(%dma_start3A_225 : memref<128x64xf32, #tpu.memory_space<hbm>>) target_semaphore(%run_scoped3A : memref<!tpu.dma_semaphore, #tpu.memory_space<semaphore_mem>>)
        %dma_wait3A_229 = arith.constant 0 : i32
        %dma_wait3A_230 = arith.constant 0 : i32
        %dma_wait3A_231 = tpu.memref_slice %arg7[%dma_wait3A_229, %dma_wait3A_230] : memref<128x128xf32, #tpu.memory_space<vmem>> -> memref<128x64xf32, #tpu.memory_space<vmem>>
        %dma_wait3A_232 = arith.constant 64 : i32
        %dma_wait3A_233 = tpu.memref_slice %arg4[%add3A_153, %dma_wait3A_232] : memref<102400x128xf32, #tpu.memory_space<hbm>> -> memref<128x64xf32, #tpu.memory_space<hbm>>
        %dma_wait3A_234 = arith.constant 64 : i32
        %dma_wait3A_235 = tpu.memref_slice %arg4[%add3A_153, %dma_wait3A_234] : memref<102400x128xf32, #tpu.memory_space<hbm>> -> memref<128x64xf32, #tpu.memory_space<hbm>>
        %dma_wait3A_236 = arith.constant 0 : i32
        %dma_wait3A_237 = arith.constant 0 : i32
        %dma_wait3A_238 = tpu.memref_slice %arg7[%dma_wait3A_236, %dma_wait3A_237] : memref<128x128xf32, #tpu.memory_space<vmem>> -> memref<128x64xf32, #tpu.memory_space<vmem>>
        tpu.wait_dma2 semaphore(%run_scoped3A : memref<!tpu.dma_semaphore, #tpu.memory_space<semaphore_mem>>) src(%dma_wait3A_238 : memref<128x64xf32, #tpu.memory_space<vmem>>) dst(%dma_wait3A_235 : memref<128x64xf32, #tpu.memory_space<hbm>>)
        tpu.yield
      }) : () -> ()
      %add3A_154 = arith.constant 2 : i32
      %add3A_155 = arith.addi %mul3A_77, %add3A_154 : i32
      %lt3A_156 = arith.constant 25 : i32
      %lt3A_157 = arith.cmpi slt, %add3A_155, %lt3A_156 : i32
      %convert_element_type3A = arith.extui %lt3A_157 : i1 to i32
      %cond3A = arith.constant 0 : i32
      %cond3A_158 = arith.cmpi ne, %convert_element_type3A, %cond3A : i32
      scf.if %cond3A_158 {
        %add3A_219 = arith.constant 2 : i32
        %add3A_220 = arith.addi %mul3A_77, %add3A_219 : i32
        %dma_start3A_221 = arith.constant 0 : i32
        %dma_start3A_222 = arith.constant 0 : i32
        %dma_start3A_223 = tpu.memref_slice %arg5[%add3A_220, %dma_start3A_221, %dma_start3A_222] : memref<25x2x128xi32, #tpu.memory_space<vmem>> -> memref<1x1x128xi32, #tpu.memory_space<vmem>>
        %dma_start3A_224 = tpu.memref_squeeze %dma_start3A_223 : memref<1x1x128xi32, #tpu.memory_space<vmem>> -> memref<128xi32, #tpu.memory_space<vmem>>
        %dma_start3A_225 = arith.constant 0 : i32
        %dma_start3A_226 = arith.constant 0 : i32
        %dma_start3A_227 = tpu.memref_slice %arg2[%dma_start3A_225, %dma_start3A_226] : memref<100000x128xf32, #tpu.memory_space<hbm>> -> memref<100000x128xf32, #tpu.memory_space<hbm>>
        tpu.enqueue_indirect_dma source(%dma_start3A_227 : memref<100000x128xf32, #tpu.memory_space<hbm>>) target(%arg6 : memref<128x128xf32, #tpu.memory_space<vmem>>) offsets(%dma_start3A_224 : memref<128xi32, #tpu.memory_space<vmem>>) semaphore(%arg10 : memref<!tpu.dma_semaphore, #tpu.memory_space<semaphore_mem>>)
        %dma_start3A_228 = arith.constant 1 : i32
        %dma_start3A_229 = arith.constant 0 : i32
        %dma_start3A_230 = tpu.memref_slice %arg5[%add3A_220, %dma_start3A_228, %dma_start3A_229] : memref<25x2x128xi32, #tpu.memory_space<vmem>> -> memref<1x1x128xi32, #tpu.memory_space<vmem>>
        %dma_start3A_231 = tpu.memref_squeeze %dma_start3A_230 : memref<1x1x128xi32, #tpu.memory_space<vmem>> -> memref<128xi32, #tpu.memory_space<vmem>>
        %dma_start3A_232 = arith.constant 0 : i32
        %dma_start3A_233 = arith.constant 0 : i32
        %dma_start3A_234 = tpu.memref_slice %arg2[%dma_start3A_232, %dma_start3A_233] : memref<100000x128xf32, #tpu.memory_space<hbm>> -> memref<100000x128xf32, #tpu.memory_space<hbm>>
        tpu.enqueue_indirect_dma source(%dma_start3A_234 : memref<100000x128xf32, #tpu.memory_space<hbm>>) target(%arg7 : memref<128x128xf32, #tpu.memory_space<vmem>>) offsets(%dma_start3A_231 : memref<128xi32, #tpu.memory_space<vmem>>) semaphore(%arg10 : memref<!tpu.dma_semaphore, #tpu.memory_space<semaphore_mem>>)
      } else {
      }
      %dma_wait3A_159 = arith.constant 0 : i32
      %dma_wait3A_160 = arith.constant 0 : i32
      %dma_wait3A_161 = tpu.memref_slice %arg5[%add3A_79, %dma_wait3A_159, %dma_wait3A_160] : memref<25x2x128xi32, #tpu.memory_space<vmem>> -> memref<1x1x128xi32, #tpu.memory_space<vmem>>
      %dma_wait3A_162 = tpu.memref_squeeze %dma_wait3A_161 : memref<1x1x128xi32, #tpu.memory_space<vmem>> -> memref<128xi32, #tpu.memory_space<vmem>>
      %dma_wait3A_163 = arith.constant 0 : i32
      %dma_wait3A_164 = arith.constant 0 : i32
      %dma_wait3A_165 = tpu.memref_slice %arg2[%dma_wait3A_163, %dma_wait3A_164] : memref<100000x128xf32, #tpu.memory_space<hbm>> -> memref<100000x128xf32, #tpu.memory_space<hbm>>
      tpu.wait_indirect_dma semaphore(%arg10 : memref<!tpu.dma_semaphore, #tpu.memory_space<semaphore_mem>>) src(%dma_wait3A_165 : memref<100000x128xf32, #tpu.memory_space<hbm>>) dst(%arg8 : memref<128x128xf32, #tpu.memory_space<vmem>>)
      %dma_wait3A_166 = arith.constant 1 : i32
      %dma_wait3A_167 = arith.constant 0 : i32
      %dma_wait3A_168 = tpu.memref_slice %arg5[%add3A_79, %dma_wait3A_166, %dma_wait3A_167] : memref<25x2x128xi32, #tpu.memory_space<vmem>> -> memref<1x1x128xi32, #tpu.memory_space<vmem>>
      %dma_wait3A_169 = tpu.memref_squeeze %dma_wait3A_168 : memref<1x1x128xi32, #tpu.memory_space<vmem>> -> memref<128xi32, #tpu.memory_space<vmem>>
      %dma_wait3A_170 = arith.constant 0 : i32
      %dma_wait3A_171 = arith.constant 0 : i32
      %dma_wait3A_172 = tpu.memref_slice %arg2[%dma_wait3A_170, %dma_wait3A_171] : memref<100000x128xf32, #tpu.memory_space<hbm>> -> memref<100000x128xf32, #tpu.memory_space<hbm>>
      tpu.wait_indirect_dma semaphore(%arg10 : memref<!tpu.dma_semaphore, #tpu.memory_space<semaphore_mem>>) src(%dma_wait3A_172 : memref<100000x128xf32, #tpu.memory_space<hbm>>) dst(%arg9 : memref<128x128xf32, #tpu.memory_space<vmem>>)
      %add3A_173 = arith.addi %mul3A_2, %add3A_79 : i32
      %jit3A_174 = arith.constant 16 : i32
      %div3A_175 = arith.divsi %add3A_173, %jit3A_174 : i32
      %sign3A_176 = arith.constant 0 : i32
      %sign3A_177 = arith.cmpi sgt, %add3A_173, %sign3A_176 : i32
      %sign3A_178 = arith.extui %sign3A_177 : i1 to i32
      %sign3A_179 = arith.constant 0 : i32
      %sign3A_180 = arith.cmpi slt, %add3A_173, %sign3A_179 : i32
      %sign3A_181 = arith.extui %sign3A_180 : i1 to i32
      %sign3A_182 = arith.subi %sign3A_178, %sign3A_181 : i32
      %sign3A_183 = arith.constant 0 : i32
      %sign3A_184 = arith.cmpi sgt, %jit3A_174, %sign3A_183 : i32
      %sign3A_185 = arith.extui %sign3A_184 : i1 to i32
      %sign3A_186 = arith.constant 0 : i32
      %sign3A_187 = arith.cmpi slt, %jit3A_174, %sign3A_186 : i32
      %sign3A_188 = arith.extui %sign3A_187 : i1 to i32
      %sign3A_189 = arith.subi %sign3A_185, %sign3A_188 : i32
      %ne3A_190 = arith.cmpi ne, %sign3A_182, %sign3A_189 : i32
      %rem3A_191 = arith.remsi %add3A_173, %jit3A_174 : i32
      %ne3A_192 = arith.constant 0 : i32
      %ne3A_193 = arith.cmpi ne, %rem3A_191, %ne3A_192 : i32
      %and3A_194 = arith.andi %ne3A_190, %ne3A_193 : i1
      %sub3A_195 = arith.constant 1 : i32
      %sub3A_196 = arith.subi %div3A_175, %sub3A_195 : i32
      %select_n3A_197 = arith.select %and3A_194, %sub3A_196, %div3A_175 : i32
      %mul3A_198 = arith.constant 2048 : i32
      %mul3A_199 = arith.muli %select_n3A_197, %mul3A_198 : i32
      %jit3A_200 = arith.constant 16 : i32
      %eq3A_201 = arith.constant 0 : i32
      %eq3A_202 = arith.cmpi eq, %jit3A_200, %eq3A_201 : i32
      %jit3A_203 = arith.constant 1 : i32
      %select_n3A_204 = arith.select %eq3A_202, %jit3A_203, %jit3A_200 : i32
      %rem3A_205 = arith.remsi %add3A_173, %select_n3A_204 : i32
      %ne3A_206 = arith.constant 0 : i32
      %ne3A_207 = arith.cmpi ne, %rem3A_205, %ne3A_206 : i32
      %lt3A_208 = arith.constant 0 : i32
      %lt3A_209 = arith.cmpi slt, %rem3A_205, %lt3A_208 : i32
      %lt3A_210 = arith.constant 0 : i32
      %lt3A_211 = arith.cmpi slt, %select_n3A_204, %lt3A_210 : i32
      %ne3A_212 = arith.xori %lt3A_209, %lt3A_211 : i1
      %and3A_213 = arith.andi %ne3A_212, %ne3A_207 : i1
      %add3A_214 = arith.addi %rem3A_205, %select_n3A_204 : i32
      %select_n3A_215 = arith.select %and3A_213, %add3A_214, %rem3A_205 : i32
      %mul3A_216 = arith.constant 128 : i32
      %mul3A_217 = arith.muli %select_n3A_215, %mul3A_216 : i32
      %add3A_218 = arith.addi %mul3A_199, %mul3A_217 : i32
      "tpu.region"() ({
        %run_scoped3A = tpu.sem_alloc : memref<!tpu.dma_semaphore, #tpu.memory_space<semaphore_mem>>
        %dma_start3A_219 = arith.constant 0 : i32
        %dma_start3A_220 = arith.constant 0 : i32
        %dma_start3A_221 = tpu.memref_slice %arg8[%dma_start3A_219, %dma_start3A_220] : memref<128x128xf32, #tpu.memory_space<vmem>> -> memref<128x64xf32, #tpu.memory_space<vmem>>
        %dma_start3A_222 = arith.constant 0 : i32
        %dma_start3A_223 = tpu.memref_slice %arg4[%add3A_218, %dma_start3A_222] : memref<102400x128xf32, #tpu.memory_space<hbm>> -> memref<128x64xf32, #tpu.memory_space<hbm>>
        %dma_start3A_224 = arith.constant 0 : i32
        %dma_start3A_225 = tpu.memref_slice %arg4[%add3A_218, %dma_start3A_224] : memref<102400x128xf32, #tpu.memory_space<hbm>> -> memref<128x64xf32, #tpu.memory_space<hbm>>
        %dma_start3A_226 = arith.constant 0 : i32
        %dma_start3A_227 = arith.constant 0 : i32
        %dma_start3A_228 = tpu.memref_slice %arg8[%dma_start3A_226, %dma_start3A_227] : memref<128x128xf32, #tpu.memory_space<vmem>> -> memref<128x64xf32, #tpu.memory_space<vmem>>
        tpu.enqueue_dma source(%dma_start3A_228 : memref<128x64xf32, #tpu.memory_space<vmem>>) target(%dma_start3A_225 : memref<128x64xf32, #tpu.memory_space<hbm>>) target_semaphore(%run_scoped3A : memref<!tpu.dma_semaphore, #tpu.memory_space<semaphore_mem>>)
        %dma_wait3A_229 = arith.constant 0 : i32
        %dma_wait3A_230 = arith.constant 0 : i32
        %dma_wait3A_231 = tpu.memref_slice %arg8[%dma_wait3A_229, %dma_wait3A_230] : memref<128x128xf32, #tpu.memory_space<vmem>> -> memref<128x64xf32, #tpu.memory_space<vmem>>
        %dma_wait3A_232 = arith.constant 0 : i32
        %dma_wait3A_233 = tpu.memref_slice %arg4[%add3A_218, %dma_wait3A_232] : memref<102400x128xf32, #tpu.memory_space<hbm>> -> memref<128x64xf32, #tpu.memory_space<hbm>>
        %dma_wait3A_234 = arith.constant 0 : i32
        %dma_wait3A_235 = tpu.memref_slice %arg4[%add3A_218, %dma_wait3A_234] : memref<102400x128xf32, #tpu.memory_space<hbm>> -> memref<128x64xf32, #tpu.memory_space<hbm>>
        %dma_wait3A_236 = arith.constant 0 : i32
        %dma_wait3A_237 = arith.constant 0 : i32
        %dma_wait3A_238 = tpu.memref_slice %arg8[%dma_wait3A_236, %dma_wait3A_237] : memref<128x128xf32, #tpu.memory_space<vmem>> -> memref<128x64xf32, #tpu.memory_space<vmem>>
        tpu.wait_dma2 semaphore(%run_scoped3A : memref<!tpu.dma_semaphore, #tpu.memory_space<semaphore_mem>>) src(%dma_wait3A_238 : memref<128x64xf32, #tpu.memory_space<vmem>>) dst(%dma_wait3A_235 : memref<128x64xf32, #tpu.memory_space<hbm>>)
        tpu.yield
      }) : () -> ()
      "tpu.region"() ({
        %run_scoped3A = tpu.sem_alloc : memref<!tpu.dma_semaphore, #tpu.memory_space<semaphore_mem>>
        %dma_start3A_219 = arith.constant 0 : i32
        %dma_start3A_220 = arith.constant 0 : i32
        %dma_start3A_221 = tpu.memref_slice %arg9[%dma_start3A_219, %dma_start3A_220] : memref<128x128xf32, #tpu.memory_space<vmem>> -> memref<128x64xf32, #tpu.memory_space<vmem>>
        %dma_start3A_222 = arith.constant 64 : i32
        %dma_start3A_223 = tpu.memref_slice %arg4[%add3A_218, %dma_start3A_222] : memref<102400x128xf32, #tpu.memory_space<hbm>> -> memref<128x64xf32, #tpu.memory_space<hbm>>
        %dma_start3A_224 = arith.constant 64 : i32
        %dma_start3A_225 = tpu.memref_slice %arg4[%add3A_218, %dma_start3A_224] : memref<102400x128xf32, #tpu.memory_space<hbm>> -> memref<128x64xf32, #tpu.memory_space<hbm>>
        %dma_start3A_226 = arith.constant 0 : i32
        %dma_start3A_227 = arith.constant 0 : i32
        %dma_start3A_228 = tpu.memref_slice %arg9[%dma_start3A_226, %dma_start3A_227] : memref<128x128xf32, #tpu.memory_space<vmem>> -> memref<128x64xf32, #tpu.memory_space<vmem>>
        tpu.enqueue_dma source(%dma_start3A_228 : memref<128x64xf32, #tpu.memory_space<vmem>>) target(%dma_start3A_225 : memref<128x64xf32, #tpu.memory_space<hbm>>) target_semaphore(%run_scoped3A : memref<!tpu.dma_semaphore, #tpu.memory_space<semaphore_mem>>)
        %dma_wait3A_229 = arith.constant 0 : i32
        %dma_wait3A_230 = arith.constant 0 : i32
        %dma_wait3A_231 = tpu.memref_slice %arg9[%dma_wait3A_229, %dma_wait3A_230] : memref<128x128xf32, #tpu.memory_space<vmem>> -> memref<128x64xf32, #tpu.memory_space<vmem>>
        %dma_wait3A_232 = arith.constant 64 : i32
        %dma_wait3A_233 = tpu.memref_slice %arg4[%add3A_218, %dma_wait3A_232] : memref<102400x128xf32, #tpu.memory_space<hbm>> -> memref<128x64xf32, #tpu.memory_space<hbm>>
        %dma_wait3A_234 = arith.constant 64 : i32
        %dma_wait3A_235 = tpu.memref_slice %arg4[%add3A_218, %dma_wait3A_234] : memref<102400x128xf32, #tpu.memory_space<hbm>> -> memref<128x64xf32, #tpu.memory_space<hbm>>
        %dma_wait3A_236 = arith.constant 0 : i32
        %dma_wait3A_237 = arith.constant 0 : i32
        %dma_wait3A_238 = tpu.memref_slice %arg9[%dma_wait3A_236, %dma_wait3A_237] : memref<128x128xf32, #tpu.memory_space<vmem>> -> memref<128x64xf32, #tpu.memory_space<vmem>>
        tpu.wait_dma2 semaphore(%run_scoped3A : memref<!tpu.dma_semaphore, #tpu.memory_space<semaphore_mem>>) src(%dma_wait3A_238 : memref<128x64xf32, #tpu.memory_space<vmem>>) dst(%dma_wait3A_235 : memref<128x64xf32, #tpu.memory_space<hbm>>)
        tpu.yield
      }) : () -> ()
    }
    %scan3A_22 = arith.constant 12 : i32
    %dma_wait3A = arith.constant 24 : i32
    %dma_wait3A_23 = arith.constant 0 : i32
    %dma_wait3A_24 = arith.constant 0 : i32
    %dma_wait3A_25 = tpu.memref_slice %arg5[%dma_wait3A, %dma_wait3A_23, %dma_wait3A_24] : memref<25x2x128xi32, #tpu.memory_space<vmem>> -> memref<1x1x128xi32, #tpu.memory_space<vmem>>
    %dma_wait3A_26 = tpu.memref_squeeze %dma_wait3A_25 : memref<1x1x128xi32, #tpu.memory_space<vmem>> -> memref<128xi32, #tpu.memory_space<vmem>>
    %dma_wait3A_27 = arith.constant 0 : i32
    %dma_wait3A_28 = arith.constant 0 : i32
    %dma_wait3A_29 = tpu.memref_slice %arg2[%dma_wait3A_27, %dma_wait3A_28] : memref<100000x128xf32, #tpu.memory_space<hbm>> -> memref<100000x128xf32, #tpu.memory_space<hbm>>
    tpu.wait_indirect_dma semaphore(%arg10 : memref<!tpu.dma_semaphore, #tpu.memory_space<semaphore_mem>>) src(%dma_wait3A_29 : memref<100000x128xf32, #tpu.memory_space<hbm>>) dst(%arg6 : memref<128x128xf32, #tpu.memory_space<vmem>>)
    %dma_wait3A_30 = arith.constant 24 : i32
    %dma_wait3A_31 = arith.constant 1 : i32
    %dma_wait3A_32 = arith.constant 0 : i32
    %dma_wait3A_33 = tpu.memref_slice %arg5[%dma_wait3A_30, %dma_wait3A_31, %dma_wait3A_32] : memref<25x2x128xi32, #tpu.memory_space<vmem>> -> memref<1x1x128xi32, #tpu.memory_space<vmem>>
    %dma_wait3A_34 = tpu.memref_squeeze %dma_wait3A_33 : memref<1x1x128xi32, #tpu.memory_space<vmem>> -> memref<128xi32, #tpu.memory_space<vmem>>
    %dma_wait3A_35 = arith.constant 0 : i32
    %dma_wait3A_36 = arith.constant 0 : i32
    %dma_wait3A_37 = tpu.memref_slice %arg2[%dma_wait3A_35, %dma_wait3A_36] : memref<100000x128xf32, #tpu.memory_space<hbm>> -> memref<100000x128xf32, #tpu.memory_space<hbm>>
    tpu.wait_indirect_dma semaphore(%arg10 : memref<!tpu.dma_semaphore, #tpu.memory_space<semaphore_mem>>) src(%dma_wait3A_37 : memref<100000x128xf32, #tpu.memory_space<hbm>>) dst(%arg7 : memref<128x128xf32, #tpu.memory_space<vmem>>)
    %add3A_38 = arith.constant 24 : i32
    %add3A_39 = arith.addi %mul3A_2, %add3A_38 : i32
    %jit3A = arith.constant 16 : i32
    %div3A = arith.divsi %add3A_39, %jit3A : i32
    %sign3A = arith.constant 0 : i32
    %sign3A_40 = arith.cmpi sgt, %add3A_39, %sign3A : i32
    %sign3A_41 = arith.extui %sign3A_40 : i1 to i32
    %sign3A_42 = arith.constant 0 : i32
    %sign3A_43 = arith.cmpi slt, %add3A_39, %sign3A_42 : i32
    %sign3A_44 = arith.extui %sign3A_43 : i1 to i32
    %sign3A_45 = arith.subi %sign3A_41, %sign3A_44 : i32
    %sign3A_46 = arith.constant 0 : i32
    %sign3A_47 = arith.cmpi sgt, %jit3A, %sign3A_46 : i32
    %sign3A_48 = arith.extui %sign3A_47 : i1 to i32
    %sign3A_49 = arith.constant 0 : i32
    %sign3A_50 = arith.cmpi slt, %jit3A, %sign3A_49 : i32
    %sign3A_51 = arith.extui %sign3A_50 : i1 to i32
    %sign3A_52 = arith.subi %sign3A_48, %sign3A_51 : i32
    %ne3A = arith.cmpi ne, %sign3A_45, %sign3A_52 : i32
    %rem3A = arith.remsi %add3A_39, %jit3A : i32
    %ne3A_53 = arith.constant 0 : i32
    %ne3A_54 = arith.cmpi ne, %rem3A, %ne3A_53 : i32
    %and3A = arith.andi %ne3A, %ne3A_54 : i1
    %sub3A = arith.constant 1 : i32
    %sub3A_55 = arith.subi %div3A, %sub3A : i32
    %select_n3A = arith.select %and3A, %sub3A_55, %div3A : i32
    %mul3A_56 = arith.constant 2048 : i32
    %mul3A_57 = arith.muli %select_n3A, %mul3A_56 : i32
    %jit3A_58 = arith.constant 16 : i32
    %eq3A = arith.constant 0 : i32
    %eq3A_59 = arith.cmpi eq, %jit3A_58, %eq3A : i32
    %jit3A_60 = arith.constant 1 : i32
    %select_n3A_61 = arith.select %eq3A_59, %jit3A_60, %jit3A_58 : i32
    %rem3A_62 = arith.remsi %add3A_39, %select_n3A_61 : i32
    %ne3A_63 = arith.constant 0 : i32
    %ne3A_64 = arith.cmpi ne, %rem3A_62, %ne3A_63 : i32
    %lt3A = arith.constant 0 : i32
    %lt3A_65 = arith.cmpi slt, %rem3A_62, %lt3A : i32
    %lt3A_66 = arith.constant 0 : i32
    %lt3A_67 = arith.cmpi slt, %select_n3A_61, %lt3A_66 : i32
    %ne3A_68 = arith.xori %lt3A_65, %lt3A_67 : i1
    %and3A_69 = arith.andi %ne3A_68, %ne3A_64 : i1
    %add3A_70 = arith.addi %rem3A_62, %select_n3A_61 : i32
    %select_n3A_71 = arith.select %and3A_69, %add3A_70, %rem3A_62 : i32
    %mul3A_72 = arith.constant 128 : i32
    %mul3A_73 = arith.muli %select_n3A_71, %mul3A_72 : i32
    %add3A_74 = arith.addi %mul3A_57, %mul3A_73 : i32
    "tpu.region"() ({
      %run_scoped3A = tpu.sem_alloc : memref<!tpu.dma_semaphore, #tpu.memory_space<semaphore_mem>>
      %dma_start3A_75 = arith.constant 0 : i32
      %dma_start3A_76 = arith.constant 0 : i32
      %dma_start3A_77 = tpu.memref_slice %arg6[%dma_start3A_75, %dma_start3A_76] : memref<128x128xf32, #tpu.memory_space<vmem>> -> memref<128x64xf32, #tpu.memory_space<vmem>>
      %dma_start3A_78 = arith.constant 0 : i32
      %dma_start3A_79 = tpu.memref_slice %arg4[%add3A_74, %dma_start3A_78] : memref<102400x128xf32, #tpu.memory_space<hbm>> -> memref<128x64xf32, #tpu.memory_space<hbm>>
      %dma_start3A_80 = arith.constant 0 : i32
      %dma_start3A_81 = tpu.memref_slice %arg4[%add3A_74, %dma_start3A_80] : memref<102400x128xf32, #tpu.memory_space<hbm>> -> memref<128x64xf32, #tpu.memory_space<hbm>>
      %dma_start3A_82 = arith.constant 0 : i32
      %dma_start3A_83 = arith.constant 0 : i32
      %dma_start3A_84 = tpu.memref_slice %arg6[%dma_start3A_82, %dma_start3A_83] : memref<128x128xf32, #tpu.memory_space<vmem>> -> memref<128x64xf32, #tpu.memory_space<vmem>>
      tpu.enqueue_dma source(%dma_start3A_84 : memref<128x64xf32, #tpu.memory_space<vmem>>) target(%dma_start3A_81 : memref<128x64xf32, #tpu.memory_space<hbm>>) target_semaphore(%run_scoped3A : memref<!tpu.dma_semaphore, #tpu.memory_space<semaphore_mem>>)
      %dma_wait3A_85 = arith.constant 0 : i32
      %dma_wait3A_86 = arith.constant 0 : i32
      %dma_wait3A_87 = tpu.memref_slice %arg6[%dma_wait3A_85, %dma_wait3A_86] : memref<128x128xf32, #tpu.memory_space<vmem>> -> memref<128x64xf32, #tpu.memory_space<vmem>>
      %dma_wait3A_88 = arith.constant 0 : i32
      %dma_wait3A_89 = tpu.memref_slice %arg4[%add3A_74, %dma_wait3A_88] : memref<102400x128xf32, #tpu.memory_space<hbm>> -> memref<128x64xf32, #tpu.memory_space<hbm>>
      %dma_wait3A_90 = arith.constant 0 : i32
      %dma_wait3A_91 = tpu.memref_slice %arg4[%add3A_74, %dma_wait3A_90] : memref<102400x128xf32, #tpu.memory_space<hbm>> -> memref<128x64xf32, #tpu.memory_space<hbm>>
      %dma_wait3A_92 = arith.constant 0 : i32
      %dma_wait3A_93 = arith.constant 0 : i32
      %dma_wait3A_94 = tpu.memref_slice %arg6[%dma_wait3A_92, %dma_wait3A_93] : memref<128x128xf32, #tpu.memory_space<vmem>> -> memref<128x64xf32, #tpu.memory_space<vmem>>
      tpu.wait_dma2 semaphore(%run_scoped3A : memref<!tpu.dma_semaphore, #tpu.memory_space<semaphore_mem>>) src(%dma_wait3A_94 : memref<128x64xf32, #tpu.memory_space<vmem>>) dst(%dma_wait3A_91 : memref<128x64xf32, #tpu.memory_space<hbm>>)
      tpu.yield
    }) : () -> ()
    "tpu.region"() ({
      %run_scoped3A = tpu.sem_alloc : memref<!tpu.dma_semaphore, #tpu.memory_space<semaphore_mem>>
      %dma_start3A_75 = arith.constant 0 : i32
      %dma_start3A_76 = arith.constant 0 : i32
      %dma_start3A_77 = tpu.memref_slice %arg7[%dma_start3A_75, %dma_start3A_76] : memref<128x128xf32, #tpu.memory_space<vmem>> -> memref<128x64xf32, #tpu.memory_space<vmem>>
      %dma_start3A_78 = arith.constant 64 : i32
      %dma_start3A_79 = tpu.memref_slice %arg4[%add3A_74, %dma_start3A_78] : memref<102400x128xf32, #tpu.memory_space<hbm>> -> memref<128x64xf32, #tpu.memory_space<hbm>>
      %dma_start3A_80 = arith.constant 64 : i32
      %dma_start3A_81 = tpu.memref_slice %arg4[%add3A_74, %dma_start3A_80] : memref<102400x128xf32, #tpu.memory_space<hbm>> -> memref<128x64xf32, #tpu.memory_space<hbm>>
      %dma_start3A_82 = arith.constant 0 : i32
      %dma_start3A_83 = arith.constant 0 : i32
      %dma_start3A_84 = tpu.memref_slice %arg7[%dma_start3A_82, %dma_start3A_83] : memref<128x128xf32, #tpu.memory_space<vmem>> -> memref<128x64xf32, #tpu.memory_space<vmem>>
      tpu.enqueue_dma source(%dma_start3A_84 : memref<128x64xf32, #tpu.memory_space<vmem>>) target(%dma_start3A_81 : memref<128x64xf32, #tpu.memory_space<hbm>>) target_semaphore(%run_scoped3A : memref<!tpu.dma_semaphore, #tpu.memory_space<semaphore_mem>>)
      %dma_wait3A_85 = arith.constant 0 : i32
      %dma_wait3A_86 = arith.constant 0 : i32
      %dma_wait3A_87 = tpu.memref_slice %arg7[%dma_wait3A_85, %dma_wait3A_86] : memref<128x128xf32, #tpu.memory_space<vmem>> -> memref<128x64xf32, #tpu.memory_space<vmem>>
      %dma_wait3A_88 = arith.constant 64 : i32
      %dma_wait3A_89 = tpu.memref_slice %arg4[%add3A_74, %dma_wait3A_88] : memref<102400x128xf32, #tpu.memory_space<hbm>> -> memref<128x64xf32, #tpu.memory_space<hbm>>
      %dma_wait3A_90 = arith.constant 64 : i32
      %dma_wait3A_91 = tpu.memref_slice %arg4[%add3A_74, %dma_wait3A_90] : memref<102400x128xf32, #tpu.memory_space<hbm>> -> memref<128x64xf32, #tpu.memory_space<hbm>>
      %dma_wait3A_92 = arith.constant 0 : i32
      %dma_wait3A_93 = arith.constant 0 : i32
      %dma_wait3A_94 = tpu.memref_slice %arg7[%dma_wait3A_92, %dma_wait3A_93] : memref<128x128xf32, #tpu.memory_space<vmem>> -> memref<128x64xf32, #tpu.memory_space<vmem>>
      tpu.wait_dma2 semaphore(%run_scoped3A : memref<!tpu.dma_semaphore, #tpu.memory_space<semaphore_mem>>) src(%dma_wait3A_94 : memref<128x64xf32, #tpu.memory_space<vmem>>) dst(%dma_wait3A_91 : memref<128x64xf32, #tpu.memory_space<hbm>>)
      tpu.yield
    }) : () -> ()
    return
  }
}

module attributes {stable_mosaic.version = 14 : i64} {
  func.func @_dense_body(%arg0: i32, %arg1: memref<64x6400xf32, #tpu.memory_space<vmem>>, %arg2: memref<64x6400xf32, #tpu.memory_space<vmem>>, %arg3: memref<64x6400xf32, #tpu.memory_space<vmem>>, %arg4: memref<6400x128xf32, #tpu.memory_space<vmem>>, %arg5: memref<3xf32, #tpu.memory_space<smem>>, %arg6: memref<3xf32, #tpu.memory_space<smem>>) attributes {dimension_semantics = [#tpu.dimension_semantics<arbitrary>], iteration_bounds = array<i64: 16>, scalar_prefetch = 0 : i64, scratch_operands = 1 : i64, tpu.core_type = #tpu.core_type<tc>, window_params = [{transform_indices = @transform_0, window_bounds = array<i64: 64, 6400>}, {transform_indices = @transform_1, window_bounds = array<i64: 64, 6400>}, {transform_indices = @transform_2, window_bounds = array<i64: 64, 6400>}, {transform_indices = @transform_3, window_bounds = array<i64: 6400, 128>}, {transform_indices = @transform_4, window_bounds = array<i64: 3>}]} {
    %eq3A = arith.constant 0 : i32
    %eq3A_0 = arith.cmpi eq, %arg0, %eq3A : i32
    %convert_element_type3A = arith.extui %eq3A_0 : i1 to i32
    %cond3A = arith.constant 0 : i32
    %cond3A_1 = arith.cmpi ne, %convert_element_type3A, %cond3A : i32
    scf.if %cond3A_1 {
      %swap3A_79 = arith.constant 0.000000e+00 : f32
      %swap3A_80 = arith.constant 0 : index
      %swap3A_81 = memref.load %arg6[%swap3A_80] : memref<3xf32, #tpu.memory_space<smem>>
      memref.store %swap3A_79, %arg6[%swap3A_80] : memref<3xf32, #tpu.memory_space<smem>>
      %swap3A_82 = arith.constant 0.000000e+00 : f32
      %swap3A_83 = arith.constant 1 : index
      %swap3A_84 = memref.load %arg6[%swap3A_83] : memref<3xf32, #tpu.memory_space<smem>>
      memref.store %swap3A_82, %arg6[%swap3A_83] : memref<3xf32, #tpu.memory_space<smem>>
      %swap3A_85 = arith.constant 0.000000e+00 : f32
      %swap3A_86 = arith.constant 2 : index
      %swap3A_87 = memref.load %arg6[%swap3A_86] : memref<3xf32, #tpu.memory_space<smem>>
      memref.store %swap3A_85, %arg6[%swap3A_86] : memref<3xf32, #tpu.memory_space<smem>>
    } else {
    }
    %get3A = arith.constant 0 : index
    %get3A_2 = arith.constant 0 : index
    %get3A_3 = vector.load %arg2[%get3A, %get3A_2] : memref<64x6400xf32, #tpu.memory_space<vmem>>, vector<64x6400xf32>
    %get3A_4 = arith.constant 0 : index
    %get3A_5 = arith.constant 0 : index
    %get3A_6 = vector.load %arg3[%get3A_4, %get3A_5] : memref<64x6400xf32, #tpu.memory_space<vmem>>, vector<64x6400xf32>
    %custom_jvp_call3A = arith.constant 0.000000e+00 : f32
    %max3A = vector.broadcast %custom_jvp_call3A : f32 to vector<64x6400xf32>
    %max3A_7 = arith.maximumf %get3A_3, %max3A : vector<64x6400xf32>
    %sub3A = vector.broadcast %custom_jvp_call3A : f32 to vector<64x6400xf32>
    %sub3A_8 = arith.subf %get3A_3, %sub3A : vector<64x6400xf32>
    %ne3A = arith.cmpf one, %sub3A_8, %sub3A_8 : vector<64x6400xf32>
    %add3A = vector.broadcast %custom_jvp_call3A : f32 to vector<64x6400xf32>
    %add3A_9 = arith.addf %get3A_3, %add3A : vector<64x6400xf32>
    %abs3A = math.absf %sub3A_8 : vector<64x6400xf32>
    %neg3A = arith.constant 0.000000e+00 : f32
    %neg3A_10 = vector.broadcast %neg3A : f32 to vector<64x6400xf32>
    %neg3A_11 = arith.subf %neg3A_10, %abs3A : vector<64x6400xf32>
    %exp3A = math.exp %neg3A_11 : vector<64x6400xf32>
    %log1p3A = math.log1p %exp3A : vector<64x6400xf32>
    %add3A_12 = arith.addf %max3A_7, %log1p3A : vector<64x6400xf32>
    %select_n3A = arith.select %ne3A, %add3A_9, %add3A_12 : vector<64x6400xi1>, vector<64x6400xf32>
    %add3A_13 = arith.constant 9.99999974E-6 : f32
    %add3A_14 = vector.broadcast %add3A_13 : f32 to vector<64x6400xf32>
    %add3A_15 = arith.addf %select_n3A, %add3A_14 : vector<64x6400xf32>
    %get3A_16 = arith.constant 0 : index
    %get3A_17 = arith.constant 0 : index
    %get3A_18 = vector.load %arg1[%get3A_16, %get3A_17] : memref<64x6400xf32, #tpu.memory_space<vmem>>, vector<64x6400xf32>
    %mul3A = arith.mulf %get3A_6, %add3A_15 : vector<64x6400xf32>
    %add3A_19 = arith.addf %get3A_18, %mul3A : vector<64x6400xf32>
    %iota3A = tpu.iota {dimensions = array<i32: 0>} : vector<64x64xi32>
    %iota3A_20 = tpu.iota {dimensions = array<i32: 1>} : vector<64x64xi32>
    %add3A_21 = arith.constant 0 : i32
    %add3A_22 = vector.broadcast %add3A_21 : i32 to vector<64x64xi32>
    %add3A_23 = arith.addi %iota3A, %add3A_22 : vector<64x64xi32>
    %eq3A_24 = arith.cmpi eq, %add3A_23, %iota3A_20 : vector<64x64xi32>
    %convert_element_type3A_25 = arith.extui %eq3A_24 : vector<64x64xi1> to vector<64x64xi32>
    %convert_element_type3A_26 = arith.sitofp %convert_element_type3A_25 : vector<64x64xi32> to vector<64x64xf32>
    %dot_general3A = arith.constant dense<0.000000e+00> : vector<6400x64xf32>
    %dot_general3A_27 = tpu.matmul %add3A_19, %convert_element_type3A_26, %dot_general3A {dimension_numbers = #tpu.dot_dimension_numbers<[0], [0], [1], [1], [0, 1, 1, 1], [], []>, transpose_lhs_hint = false} : vector<64x6400xf32>, vector<64x64xf32>, vector<6400x64xf32> -> vector<6400x64xf32>
    %swap3A = arith.constant 0 : index
    %swap3A_28 = arith.constant 0 : index
    %swap3A_29 = vector.load %arg4[%swap3A, %swap3A_28] : memref<6400x128xf32, #tpu.memory_space<vmem>>, vector<6400x64xf32>
    tpu.vector_store %arg4[%swap3A, %swap3A_28], %dot_general3A_27 {strides = array<i32>} : memref<6400x128xf32, #tpu.memory_space<vmem>>, vector<6400x64xf32>,
    %mul3A_30 = arith.constant 6400 : i32
    %mul3A_31 = arith.muli %arg0, %mul3A_30 : i32
    %sub3A_32 = arith.constant 100000 : i32
    %sub3A_33 = arith.subi %sub3A_32, %mul3A_31 : i32
    %iota3A_34 = tpu.iota {dimensions = array<i32: 1>} : vector<64x6400xi32>
    %lt3A = vector.broadcast %sub3A_33 : i32 to vector<64x6400xi32>
    %lt3A_35 = arith.cmpi slt, %iota3A_34, %lt3A : vector<64x6400xi32>
    %get3A_36 = arith.constant 0 : index
    %get3A_37 = memref.load %arg6[%get3A_36] : memref<3xf32, #tpu.memory_space<smem>>
    %log3A = math.log %add3A_15 : vector<64x6400xf32>
    %jit3A = arith.constant 0.000000e+00 : f32
    %broadcast_in_dim3A = vector.broadcast %jit3A : f32 to vector<64x6400xf32>
    %select_n3A_38 = arith.select %lt3A_35, %log3A, %broadcast_in_dim3A : vector<64x6400xi1>, vector<64x6400xf32>
    %reduce_sum3A = vector.shape_cast %select_n3A_38 : vector<64x6400xf32> to vector<1x64x6400xf32>
    %reduce_sum3A_39 = arith.constant dense<0.000000e+00> : vector<1xf32>
    %reduce_sum3A_40 = vector.multi_reduction <add>, %reduce_sum3A, %reduce_sum3A_39 [1, 2] : vector<1x64x6400xf32> to vector<1xf32>
    %reduce_sum3A_41 = vector.shape_cast %reduce_sum3A_40 : vector<1xf32> to vector<1x1x1xf32>
    %reduce_sum3A_42 = vector.extract %reduce_sum3A_41[0, 0, 0] : f32 from vector<1x1x1xf32>
    %add3A_43 = arith.addf %get3A_37, %reduce_sum3A_42 : f32
    %swap3A_44 = arith.constant 0 : index
    %swap3A_45 = memref.load %arg6[%swap3A_44] : memref<3xf32, #tpu.memory_space<smem>>
    memref.store %add3A_43, %arg6[%swap3A_44] : memref<3xf32, #tpu.memory_space<smem>>
    %get3A_46 = arith.constant 1 : index
    %get3A_47 = memref.load %arg6[%get3A_46] : memref<3xf32, #tpu.memory_space<smem>>
    %mul3A_48 = arith.mulf %get3A_6, %get3A_6 : vector<64x6400xf32>
    %jit3A_49 = arith.constant 0.000000e+00 : f32
    %broadcast_in_dim3A_50 = vector.broadcast %jit3A_49 : f32 to vector<64x6400xf32>
    %select_n3A_51 = arith.select %lt3A_35, %mul3A_48, %broadcast_in_dim3A_50 : vector<64x6400xi1>, vector<64x6400xf32>
    %reduce_sum3A_52 = vector.shape_cast %select_n3A_51 : vector<64x6400xf32> to vector<1x64x6400xf32>
    %reduce_sum3A_53 = arith.constant dense<0.000000e+00> : vector<1xf32>
    %reduce_sum3A_54 = vector.multi_reduction <add>, %reduce_sum3A_52, %reduce_sum3A_53 [1, 2] : vector<1x64x6400xf32> to vector<1xf32>
    %reduce_sum3A_55 = vector.shape_cast %reduce_sum3A_54 : vector<1xf32> to vector<1x1x1xf32>
    %reduce_sum3A_56 = vector.extract %reduce_sum3A_55[0, 0, 0] : f32 from vector<1x1x1xf32>
    %add3A_57 = arith.addf %get3A_47, %reduce_sum3A_56 : f32
    %swap3A_58 = arith.constant 1 : index
    %swap3A_59 = memref.load %arg6[%swap3A_58] : memref<3xf32, #tpu.memory_space<smem>>
    memref.store %add3A_57, %arg6[%swap3A_58] : memref<3xf32, #tpu.memory_space<smem>>
    %get3A_60 = arith.constant 2 : index
    %get3A_61 = memref.load %arg6[%get3A_60] : memref<3xf32, #tpu.memory_space<smem>>
    %mul3A_62 = arith.mulf %add3A_19, %add3A_19 : vector<64x6400xf32>
    %jit3A_63 = arith.constant 0.000000e+00 : f32
    %broadcast_in_dim3A_64 = vector.broadcast %jit3A_63 : f32 to vector<64x6400xf32>
    %select_n3A_65 = arith.select %lt3A_35, %mul3A_62, %broadcast_in_dim3A_64 : vector<64x6400xi1>, vector<64x6400xf32>
    %reduce_sum3A_66 = vector.shape_cast %select_n3A_65 : vector<64x6400xf32> to vector<1x64x6400xf32>
    %reduce_sum3A_67 = arith.constant dense<0.000000e+00> : vector<1xf32>
    %reduce_sum3A_68 = vector.multi_reduction <add>, %reduce_sum3A_66, %reduce_sum3A_67 [1, 2] : vector<1x64x6400xf32> to vector<1xf32>
    %reduce_sum3A_69 = vector.shape_cast %reduce_sum3A_68 : vector<1xf32> to vector<1x1x1xf32>
    %reduce_sum3A_70 = vector.extract %reduce_sum3A_69[0, 0, 0] : f32 from vector<1x1x1xf32>
    %add3A_71 = arith.addf %get3A_61, %reduce_sum3A_70 : f32
    %swap3A_72 = arith.constant 2 : index
    %swap3A_73 = memref.load %arg6[%swap3A_72] : memref<3xf32, #tpu.memory_space<smem>>
    memref.store %add3A_71, %arg6[%swap3A_72] : memref<3xf32, #tpu.memory_space<smem>>
    %eq3A_74 = arith.constant 15 : i32
    %eq3A_75 = arith.cmpi eq, %arg0, %eq3A_74 : i32
    %convert_element_type3A_76 = arith.extui %eq3A_75 : i1 to i32
    %cond3A_77 = arith.constant 0 : i32
    %cond3A_78 = arith.cmpi ne, %convert_element_type3A_76, %cond3A_77 : i32
    scf.if %cond3A_78 {
      %get3A_79 = arith.constant 0 : index
      %get3A_80 = memref.load %arg6[%get3A_79] : memref<3xf32, #tpu.memory_space<smem>>
      %swap3A_81 = arith.constant 0 : index
      %swap3A_82 = memref.load %arg5[%swap3A_81] : memref<3xf32, #tpu.memory_space<smem>>
      memref.store %get3A_80, %arg5[%swap3A_81] : memref<3xf32, #tpu.memory_space<smem>>
      %get3A_83 = arith.constant 1 : index
      %get3A_84 = memref.load %arg6[%get3A_83] : memref<3xf32, #tpu.memory_space<smem>>
      %swap3A_85 = arith.constant 1 : index
      %swap3A_86 = memref.load %arg5[%swap3A_85] : memref<3xf32, #tpu.memory_space<smem>>
      memref.store %get3A_84, %arg5[%swap3A_85] : memref<3xf32, #tpu.memory_space<smem>>
      %get3A_87 = arith.constant 2 : index
      %get3A_88 = memref.load %arg6[%get3A_87] : memref<3xf32, #tpu.memory_space<smem>>
      %swap3A_89 = arith.constant 2 : index
      %swap3A_90 = memref.load %arg5[%swap3A_89] : memref<3xf32, #tpu.memory_space<smem>>
      memref.store %get3A_88, %arg5[%swap3A_89] : memref<3xf32, #tpu.memory_space<smem>>
    } else {
    }
    return
  }
  func.func @transform_0(%arg0: i32) -> (i32, i32) {
    %c0_i32 = arith.constant 0 : i32
    %c0_i32_0 = arith.constant 0 : i32
    return %c0_i32, %arg0 : i32, i32
  }
  func.func @transform_1(%arg0: i32) -> (i32, i32) {
    %c0_i32 = arith.constant 0 : i32
    %c0_i32_0 = arith.constant 0 : i32
    return %c0_i32, %arg0 : i32, i32
  }
  func.func @transform_2(%arg0: i32) -> (i32, i32) {
    %c0_i32 = arith.constant 0 : i32
    %c0_i32_0 = arith.constant 0 : i32
    return %c0_i32, %arg0 : i32, i32
  }
  func.func @transform_3(%arg0: i32) -> (i32, i32) {
    %c0_i32 = arith.constant 0 : i32
    %c0_i32_0 = arith.constant 0 : i32
    return %arg0, %c0_i32 : i32, i32
  }
  func.func @transform_4(%arg0: i32) -> i32 {
    %c0_i32 = arith.constant 0 : i32
    %c0_i32_0 = arith.constant 0 : i32
    return %c0_i32 : i32
  }
}

module attributes {stable_mosaic.version = 14 : i64} {
  func.func @_trans_body(%arg0: i32, %arg1: memref<10240x128xf32, #tpu.memory_space<vmem>>, %arg2: memref<320x4096xf32, #tpu.memory_space<vmem>>) attributes {dimension_semantics = [#tpu.dimension_semantics<arbitrary>], iteration_bounds = array<i64: 10>, scalar_prefetch = 0 : i64, scratch_operands = 0 : i64, tpu.core_type = #tpu.core_type<tc>, window_params = [{transform_indices = @transform_0, window_bounds = array<i64: 10240, 128>}, {transform_indices = @transform_1, window_bounds = array<i64: 320, 4096>}]} {
    %iota3A = tpu.iota {dimensions = array<i32: 0>} : vector<64x64xi32>
    %iota3A_0 = tpu.iota {dimensions = array<i32: 1>} : vector<64x64xi32>
    %add3A = arith.constant 0 : i32
    %add3A_1 = vector.broadcast %add3A : i32 to vector<64x64xi32>
    %add3A_2 = arith.addi %iota3A, %add3A_1 : vector<64x64xi32>
    %eq3A = arith.cmpi eq, %add3A_2, %iota3A_0 : vector<64x64xi32>
    %convert_element_type3A = arith.extui %eq3A : vector<64x64xi1> to vector<64x64xi32>
    %convert_element_type3A_3 = arith.sitofp %convert_element_type3A : vector<64x64xi32> to vector<64x64xf32>
    %get3A = arith.constant 0 : index
    %get3A_4 = arith.constant 0 : index
    %get3A_5 = vector.load %arg1[%get3A, %get3A_4] : memref<10240x128xf32, #tpu.memory_space<vmem>>, vector<2048x128xf32>
    %slice3A = vector.extract_strided_slice %get3A_5 {offsets = [0, 0], sizes = [2048, 64], strides = [1, 1]} : vector<2048x128xf32> to vector<2048x64xf32>
    %transpose3A = tpu.transpose %slice3A, [1, 0] : vector<2048x64xf32> -> vector<64x2048xf32>
    %slice3A_6 = vector.extract_strided_slice %get3A_5 {offsets = [0, 64], sizes = [2048, 64], strides = [1, 1]} : vector<2048x128xf32> to vector<2048x64xf32>
    %dot_general3A = arith.constant dense<0.000000e+00> : vector<64x2048xf32>
    %dot_general3A_7 = tpu.matmul %convert_element_type3A_3, %slice3A_6, %dot_general3A {dimension_numbers = #tpu.dot_dimension_numbers<[1], [1], [0], [0], [0, 0, 1, 0], [], []>, transpose_lhs_hint = false} : vector<64x64xf32>, vector<2048x64xf32>, vector<64x2048xf32> -> vector<64x2048xf32>
    %concatenate3A = tpu.concatenate %transpose3A, %dot_general3A_7 in 1 : vector<64x2048xf32>, vector<64x2048xf32> -> vector<64x4096xf32>
    %swap3A = arith.constant 0 : index
    %swap3A_8 = arith.constant 0 : index
    %swap3A_9 = vector.load %arg2[%swap3A, %swap3A_8] : memref<320x4096xf32, #tpu.memory_space<vmem>>, vector<64x4096xf32>
    tpu.vector_store %arg2[%swap3A, %swap3A_8], %concatenate3A {strides = array<i32>} : memref<320x4096xf32, #tpu.memory_space<vmem>>, vector<64x4096xf32>,
    %get3A_10 = arith.constant 2048 : index
    %get3A_11 = arith.constant 0 : index
    %get3A_12 = vector.load %arg1[%get3A_10, %get3A_11] : memref<10240x128xf32, #tpu.memory_space<vmem>>, vector<2048x128xf32>
    %slice3A_13 = vector.extract_strided_slice %get3A_12 {offsets = [0, 0], sizes = [2048, 64], strides = [1, 1]} : vector<2048x128xf32> to vector<2048x64xf32>
    %transpose3A_14 = tpu.transpose %slice3A_13, [1, 0] : vector<2048x64xf32> -> vector<64x2048xf32>
    %slice3A_15 = vector.extract_strided_slice %get3A_12 {offsets = [0, 64], sizes = [2048, 64], strides = [1, 1]} : vector<2048x128xf32> to vector<2048x64xf32>
    %dot_general3A_16 = arith.constant dense<0.000000e+00> : vector<64x2048xf32>
    %dot_general3A_17 = tpu.matmul %convert_element_type3A_3, %slice3A_15, %dot_general3A_16 {dimension_numbers = #tpu.dot_dimension_numbers<[1], [1], [0], [0], [0, 0, 1, 0], [], []>, transpose_lhs_hint = false} : vector<64x64xf32>, vector<2048x64xf32>, vector<64x2048xf32> -> vector<64x2048xf32>
    %concatenate3A_18 = tpu.concatenate %transpose3A_14, %dot_general3A_17 in 1 : vector<64x2048xf32>, vector<64x2048xf32> -> vector<64x4096xf32>
    %swap3A_19 = arith.constant 64 : index
    %swap3A_20 = arith.constant 0 : index
    %swap3A_21 = vector.load %arg2[%swap3A_19, %swap3A_20] : memref<320x4096xf32, #tpu.memory_space<vmem>>, vector<64x4096xf32>
    tpu.vector_store %arg2[%swap3A_19, %swap3A_20], %concatenate3A_18 {strides = array<i32>} : memref<320x4096xf32, #tpu.memory_space<vmem>>, vector<64x4096xf32>,
    %get3A_22 = arith.constant 4096 : index
    %get3A_23 = arith.constant 0 : index
    %get3A_24 = vector.load %arg1[%get3A_22, %get3A_23] : memref<10240x128xf32, #tpu.memory_space<vmem>>, vector<2048x128xf32>
    %slice3A_25 = vector.extract_strided_slice %get3A_24 {offsets = [0, 0], sizes = [2048, 64], strides = [1, 1]} : vector<2048x128xf32> to vector<2048x64xf32>
    %transpose3A_26 = tpu.transpose %slice3A_25, [1, 0] : vector<2048x64xf32> -> vector<64x2048xf32>
    %slice3A_27 = vector.extract_strided_slice %get3A_24 {offsets = [0, 64], sizes = [2048, 64], strides = [1, 1]} : vector<2048x128xf32> to vector<2048x64xf32>
    %dot_general3A_28 = arith.constant dense<0.000000e+00> : vector<64x2048xf32>
    %dot_general3A_29 = tpu.matmul %convert_element_type3A_3, %slice3A_27, %dot_general3A_28 {dimension_numbers = #tpu.dot_dimension_numbers<[1], [1], [0], [0], [0, 0, 1, 0], [], []>, transpose_lhs_hint = false} : vector<64x64xf32>, vector<2048x64xf32>, vector<64x2048xf32> -> vector<64x2048xf32>
    %concatenate3A_30 = tpu.concatenate %transpose3A_26, %dot_general3A_29 in 1 : vector<64x2048xf32>, vector<64x2048xf32> -> vector<64x4096xf32>
    %swap3A_31 = arith.constant 128 : index
    %swap3A_32 = arith.constant 0 : index
    %swap3A_33 = vector.load %arg2[%swap3A_31, %swap3A_32] : memref<320x4096xf32, #tpu.memory_space<vmem>>, vector<64x4096xf32>
    tpu.vector_store %arg2[%swap3A_31, %swap3A_32], %concatenate3A_30 {strides = array<i32>} : memref<320x4096xf32, #tpu.memory_space<vmem>>, vector<64x4096xf32>,
    %get3A_34 = arith.constant 6144 : index
    %get3A_35 = arith.constant 0 : index
    %get3A_36 = vector.load %arg1[%get3A_34, %get3A_35] : memref<10240x128xf32, #tpu.memory_space<vmem>>, vector<2048x128xf32>
    %slice3A_37 = vector.extract_strided_slice %get3A_36 {offsets = [0, 0], sizes = [2048, 64], strides = [1, 1]} : vector<2048x128xf32> to vector<2048x64xf32>
    %transpose3A_38 = tpu.transpose %slice3A_37, [1, 0] : vector<2048x64xf32> -> vector<64x2048xf32>
    %slice3A_39 = vector.extract_strided_slice %get3A_36 {offsets = [0, 64], sizes = [2048, 64], strides = [1, 1]} : vector<2048x128xf32> to vector<2048x64xf32>
    %dot_general3A_40 = arith.constant dense<0.000000e+00> : vector<64x2048xf32>
    %dot_general3A_41 = tpu.matmul %convert_element_type3A_3, %slice3A_39, %dot_general3A_40 {dimension_numbers = #tpu.dot_dimension_numbers<[1], [1], [0], [0], [0, 0, 1, 0], [], []>, transpose_lhs_hint = false} : vector<64x64xf32>, vector<2048x64xf32>, vector<64x2048xf32> -> vector<64x2048xf32>
    %concatenate3A_42 = tpu.concatenate %transpose3A_38, %dot_general3A_41 in 1 : vector<64x2048xf32>, vector<64x2048xf32> -> vector<64x4096xf32>
    %swap3A_43 = arith.constant 192 : index
    %swap3A_44 = arith.constant 0 : index
    %swap3A_45 = vector.load %arg2[%swap3A_43, %swap3A_44] : memref<320x4096xf32, #tpu.memory_space<vmem>>, vector<64x4096xf32>
    tpu.vector_store %arg2[%swap3A_43, %swap3A_44], %concatenate3A_42 {strides = array<i32>} : memref<320x4096xf32, #tpu.memory_space<vmem>>, vector<64x4096xf32>,
    %get3A_46 = arith.constant 8192 : index
    %get3A_47 = arith.constant 0 : index
    %get3A_48 = vector.load %arg1[%get3A_46, %get3A_47] : memref<10240x128xf32, #tpu.memory_space<vmem>>, vector<2048x128xf32>
    %slice3A_49 = vector.extract_strided_slice %get3A_48 {offsets = [0, 0], sizes = [2048, 64], strides = [1, 1]} : vector<2048x128xf32> to vector<2048x64xf32>
    %transpose3A_50 = tpu.transpose %slice3A_49, [1, 0] : vector<2048x64xf32> -> vector<64x2048xf32>
    %slice3A_51 = vector.extract_strided_slice %get3A_48 {offsets = [0, 64], sizes = [2048, 64], strides = [1, 1]} : vector<2048x128xf32> to vector<2048x64xf32>
    %dot_general3A_52 = arith.constant dense<0.000000e+00> : vector<64x2048xf32>
    %dot_general3A_53 = tpu.matmul %convert_element_type3A_3, %slice3A_51, %dot_general3A_52 {dimension_numbers = #tpu.dot_dimension_numbers<[1], [1], [0], [0], [0, 0, 1, 0], [], []>, transpose_lhs_hint = false} : vector<64x64xf32>, vector<2048x64xf32>, vector<64x2048xf32> -> vector<64x2048xf32>
    %concatenate3A_54 = tpu.concatenate %transpose3A_50, %dot_general3A_53 in 1 : vector<64x2048xf32>, vector<64x2048xf32> -> vector<64x4096xf32>
    %swap3A_55 = arith.constant 256 : index
    %swap3A_56 = arith.constant 0 : index
    %swap3A_57 = vector.load %arg2[%swap3A_55, %swap3A_56] : memref<320x4096xf32, #tpu.memory_space<vmem>>, vector<64x4096xf32>
    tpu.vector_store %arg2[%swap3A_55, %swap3A_56], %concatenate3A_54 {strides = array<i32>} : memref<320x4096xf32, #tpu.memory_space<vmem>>, vector<64x4096xf32>,
    return
  }
  func.func @transform_0(%arg0: i32) -> (i32, i32) {
    %c0_i32 = arith.constant 0 : i32
    %c0_i32_0 = arith.constant 0 : i32
    return %arg0, %c0_i32 : i32, i32
  }
  func.func @transform_1(%arg0: i32) -> (i32, i32) {
    %c0_i32 = arith.constant 0 : i32
    %c0_i32_0 = arith.constant 0 : i32
    return %arg0, %c0_i32 : i32, i32
  }
}

</mosaic_0001>

<sc_bundles>
// kernel: kernel.5.cloned.1.call-start
scs
__scs_entry_jumppad:
0x0: {  	(pc) =	sbr.rel $0x88, $3  }
0x1: {  	(tag) =	ssettag $0x0;
	lr =	simm.s32 $0x1  }
0x2: {  	[smem:$0x3F9D] =	sst lr;
	_ =	strace $0xD0000000  }
0x3: {  	_ = 	snop  }
0x4: {  	_ = 	snop  }
0x5: {  	_ = 	snop  }
0x6: {  	_ = 	snop  }
0x7: {  	_ = 	snop  }
__scs_overlays_trampoline_lowered:
0x8: {  	[smem:$0x3FAC] =	sst s0  }
0x9: {  	[smem:$0x3FAD] =	sst s1  }
0xa: {  	[smem:$0x3FAE] =	sst s2  }
0xb: {  	[smem:$0x3FAF] =	sst s3  }
0xc: {  	[smem:$0x3FB0] =	sst s4  }
0xd: {  	[smem:$0x3FB1] =	sst s5  }
0xe: {  	[smem:$0x3FB2] =	sst s6  }
0xf: {  	[smem:$0x3FB3] =	sst s7  }
0x10: {  	[smem:$0x3FB4] =	sst s8  }
0x11: {  	[smem:$0x3FB5] =	sst s9;
	s0 =	simm.s32 @!p0 $0x0  }
0x12: {  	s1 =	sld [smem:$0x3F9B];
	s0 =	simm.s32 @p0 $0x1  }
0x13: {  	[smem:$0x3FB6] =	sst s0;
	s0 =	simm.s32 @!p1 $0x0  }
0x14: {  	s2 =	sld [smem:$0x3F9A];
	s0 =	simm.s32 @p1 $0x1  }
0x15: {  	[smem:$0x3FB7] =	sst s0;
	s0 =	simm.s32 @!p2 $0x0  }
0x16: {  	s3 =	sld [smem:$0x3FDB];
	s0 =	simm.s32 @p2 $0x1  }
0x17: {  	s4 =	simm.s32 $0x1BF5;
	[smem:$0x3FB9] =	sst s0  }
0x18: {  	s0 =	sld [smem:$0x3F9C];
	_ =	swait.ge [sflag:s4], $0x0  }
0x19: {  	s7 =	sld [smem:$0x3F9D]  }
0x1a: {  	s8 =	sadd.s32 $0xFFFFE003, lr  }
0x1b: {  	s9 =	sadd.s32 $0xFFFFFEF7, lr;
	s5 =	simm.s32 $0xFFFFFFFF;
	p2 =	slt.u32 s8, $0xFFFFF086  }
0x1c: {  	p1 =	slt.u32 s9, $0xF7A;
	s5 =	simm.s32 @!p2 $0x0  }
0x1d: {  	s5 =	simm.s32 @p1 $0x1;
	p0 =	seq.s32 s7, s2  }
0x1e: {  	s7 =	smul.u32 @!p0 $0xF7A, s2;
	p2 =	seq.s32 @!p0 s5, $0x0  }
0x1f: {  	s9 =	smul.u32 $0xF7A, s1;
	s8 =	simm.s32 @!p0 $0x1BF5;
	p2 =	por !p2, p0  }
0x20: {  	[sflag:s8] =	ssyncset.s32 @!p0 $0xFFFFF086;
	s6 =	sadd.s32 @!p0 s3, s7;
	s7 =	simm.s32 @!p0 $0x108  }
0x21: {  	s3 =	sadd.s32 s3, s9;
	s6 =	sadd.s32 @!p0 $0x88, s6;
	s7 =	simm.s32 @p2 $0x1082  }
0x22: {  	[simem:s7], [sflag:s8] =	dma.local @!p0 [hbm:s6], $0xF7A  }
0x23: {  	s9 =	sor.u32 $0xD0000000, s2;
	s6 =	simm.s32 $0x108;
	_ =	swait.ge @!p0 [sflag:s8], $0x0  }
0x24: {  	s3 =	sadd.s32 $0x88, s3;
	s6 =	simm.s32 @!p1 $0x1082;
	[sflag:s4] =	ssyncset.s32 $0xFFFFF086  }
0x25: {  	[simem:s6], [sflag:s4] =	dma.local [hbm:s3], $0xF7A  }
0x26: {  	[smem:$0x3F9D] =	sst s1;
	(tag) =	ssettag s2;
	_ =	strace s9  }
0x27: {  	s1 =	sld [smem:$0x3FAD]  }
0x28: {  	s2 =	sld [smem:$0x3FAE]  }
0x29: {  	s4 =	sld [smem:$0x3FB0]  }
0x2a: {  	p0 =	seq.s32 s5, $0x0;
	s5 =	sld [smem:$0x3FB1]  }
0x2b: {  	s6 =	sld [smem:$0x3FB2]  }
0x2c: {  	s7 =	sld [smem:$0x3FB3]  }
0x2d: {  	s3 =	simm.s32 $0x108;
	s8 =	sld [smem:$0x3FB4]  }
0x2e: {  	s3 =	simm.s32 @!p0 $0x1082;
	s9 =	sld [smem:$0x3FB5]  }
0x2f: {  	lr =	sadd.s32 s0, s3;
	s0 =	sld [smem:$0x3FAC]  }
0x30: {  	s3 =	sld [smem:$0x3FAF]  }
0x31: {  	[smem:$0x3FB8] =	sst s10  }
0x32: {  	s10 =	sld [smem:$0x3FB6];
	_ =	sdelay $0x3  }
0x33: {  	p0 =	seq.s32 s10, $0x1;
	s10 =	sld [smem:$0x3FB8];
	_ =	sdelay $0x3  }
0x34: {  	[smem:$0x3FB8] =	sst s10  }
0x35: {  	s10 =	sld [smem:$0x3FB7];
	_ =	sdelay $0x3  }
0x36: {  	p1 =	seq.s32 s10, $0x1;
	s10 =	sld [smem:$0x3FB8];
	_ =	sdelay $0x3  }
0x37: {  	[smem:$0x3FB8] =	sst s10  }
0x38: {  	s10 =	sld [smem:$0x3FB9]  }
0x39: {  	_ = 	snop;
	(pc) =	sbr.ind lr, $3  }
0x3a: {  	_ = 	snop  }
0x3b: {  	_ = 	snop  }
0x3c: {  	p2 =	seq.s32 s10, $0x1;
	s10 =	sld [smem:$0x3FB8]  }
0x3d: {  	_ =	shalt  }
0x3e: {  	_ =	shalt  }
0x3f: {  	_ =	shalt  }
0x40: {  	_ =	shalt  }
0x41: {  	_ =	shalt  }
0x42: {  	_ =	shalt  }
0x43: {  	_ =	shalt  }
0x44: {  	_ =	shalt  }
0x45: {  	_ =	shalt  }
0x46: {  	_ =	shalt  }
0x47: {  	_ =	shalt  }
0x48: {  	_ =	shalt  }
0x49: {  	_ =	shalt  }
0x4a: {  	_ =	shalt  }
0x4b: {  	_ =	shalt  }
0x4c: {  	_ =	shalt  }
0x4d: {  	_ =	shalt  }
0x4e: {  	_ =	shalt  }
0x4f: {  	_ =	shalt  }
0x50: {  	_ =	shalt  }
0x51: {  	_ =	shalt  }
0x52: {  	_ =	shalt  }
0x53: {  	_ =	shalt  }
0x54: {  	_ =	shalt  }
0x55: {  	_ =	shalt  }
0x56: {  	_ =	shalt  }
0x57: {  	_ =	shalt  }
0x58: {  	_ =	shalt  }
0x59: {  	_ =	shalt  }
0x5a: {  	_ =	shalt  }
0x5b: {  	_ =	shalt  }
0x5c: {  	_ =	shalt  }
0x5d: {  	_ =	shalt  }
0x5e: {  	_ =	shalt  }
0x5f: {  	_ =	shalt  }
0x60: {  	_ =	shalt  }
0x61: {  	_ =	shalt  }
0x62: {  	_ =	shalt  }
0x63: {  	_ =	shalt  }
0x64: {  	_ =	shalt  }
0x65: {  	_ =	shalt  }
0x66: {  	_ =	shalt  }
0x67: {  	_ =	shalt  }
0x68: {  	_ =	shalt  }
0x69: {  	_ =	shalt  }
0x6a: {  	_ =	shalt  }
0x6b: {  	_ =	shalt  }
0x6c: {  	_ =	shalt  }
0x6d: {  	_ =	shalt  }
0x6e: {  	_ =	shalt  }
0x6f: {  	_ =	shalt  }
0x70: {  	_ =	shalt  }
0x71: {  	_ =	shalt  }
0x72: {  	_ =	shalt  }
0x73: {  	_ =	shalt  }
0x74: {  	_ =	shalt  }
0x75: {  	_ =	shalt  }
0x76: {  	_ =	shalt  }
0x77: {  	_ =	shalt  }
0x78: {  	_ =	shalt  }
0x79: {  	_ =	shalt  }
0x7a: {  	_ =	shalt  }
0x7b: {  	_ =	shalt  }
0x7c: {  	_ =	shalt  }
0x7d: {  	_ =	shalt  }
0x7e: {  	_ =	shalt  }
0x7f: {  	_ =	shalt  }
0x80: {  	_ =	shalt  }
0x81: {  	_ =	shalt  }
0x82: {  	_ =	shalt  }
0x83: {  	_ =	shalt  }
0x84: {  	_ =	shalt  }
0x85: {  	_ =	shalt  }
0x86: {  	_ =	shalt  }
0x87: {  	_ =	shalt  }
.Lfunc_end0:
.L_simem_size_0:
called_computation_lowered:
.L_overlay_start_0:
0x88: {  	s2 =	sld [smem:$0x3FD9]  }
0x89: {  	s3 =	sld [smem:$0x3FFE];
	_ =	sdelay $0x1  }
0x8a: {  	s1 =	srdreg.scid  }
0x8b: {  	s0 =	sand.u32 $0x1, s1  }
0x8c: {  	s14 =	sshll.u32 s0, $0xA;
	s2 =	sadd.s32 s3, s2  }
0x8d: {  	s2 =	sadd.s32 s2, s14  }
0x8e: {  	[smem:$0x3FC4] =	sst s2  }
0x8f: {  	_ = 	snop  }
0x90: {  	s2 =	sld [smem:$0x3FD0];
	_ =	sdelay $0x2  }
0x91: {  	s15 =	simm.s32 $0xA;
	s4 =	simm.s32 $0x10  }
0x92: {  	[smem:s4], [sflag:s15] =	dma.local [hbm:s2], $0x1  }
0x93: {  	_ =	swait.eq [sflag:s15], $0x1  }
0x94: {  	[sflag:s15] =	ssyncset.done $0x0  }
0x95: {  	[sflag:s15] =	ssyncadd.s32 $0xFFFFFFFF  }
0x96: {  	s16 =	sld [smem:$0x10];
	(tm) =	ssettm $0x1  }
0x97: {  	s17 =	sld [smem:$0x3FFB];
	_ =	sdelay $0x3  }
0x98: {  	_ =	strace s17  }
0x99: {  	s3 =	sld [smem:$0x3FFC];
	_ =	sdelay $0x3  }
0x9a: {  	_ =	strace s3  }
0x9b: {  	s3 =	sld [smem:$0x3FFD];
	_ =	sdelay $0x3  }
0x9c: {  	_ =	strace s3  }
0x9d: {  	_ =	strace $0x8FFFFFFF  }
0x9e: {  	s18 =	sld [smem:$0x3FDB];
	_ =	sdelay $0x1  }
0x9f: {  	s19 =	simm.s32 $_scs_section_size  }
0xa0: {  	s5 =	simm.s32 $_size__tile_overlayer_lowered;
	s6 =	simm.s32 $_tile_overlayer_lowered  }
0xa1: {  	s22 =	simm.s32 $0x1BFF;
	s21 =	sshll.u32 s6, $0x1;
	s3 =	sadd.s32 s19, s18  }
0xa2: {  	s7 =	simm.s32 $0x0;
	s20 =	sshll.u32 s5, $0x1;
	s5 =	sadd.s32 s21, s3  }
0xa3: {  	[timem:s7], [sflag:s22] =	dma.local [hbm:s5], s20  }
0xa4: {  	_ =	swait.ge [sflag:s22], s20  }
0xa5: {  	s4 =	ssub.s32 $0x0, s20;
	[sflag:s22] =	ssyncset.done $0x0  }
0xa6: {  	[sflag:s22] =	ssyncadd.s32 s4;
	_ =	sdelay $0x1  }
0xa7: {  	s23 =	simm.s32 $0x1B8B  }
0xa8: {  	_ =	swait.ge [sflag:s23], $0x1  }
0xa9: {  	[sflag:s23] =	ssyncset.done $0x0  }
0xaa: {  	s25 =	simm.s32 $0x1B8E;
	s24 =	sld [smem:$0x3FFE];
	[sflag:s23] =	ssyncadd.s32 $0xFFFFFFFF  }
0xab: {  	s26 =	simm.s32 $execute0_lowered;
	[smem:$0x3FD2] =	sst s25  }
0xac: {  	s5 =	sshll.u32 s26, $0x1;
	_ =	strace $0x80000046;
	[dreg:$0x1] =	wrdreg $0xFFFFFFFF  }
0xad: {  	s28 =	simm.s32 $_size_execute0_lowered;
	s3 =	sadd.s32 s3, s5;
	[dreg:$0x0] =	wrdreg $0x0  }
0xae: {  	s5 =	sshll.u32 s28, $0x1;
	[dreg:$0x2] =	wrdreg s3  }
0xaf: {  	[dreg:$0x3] =	wrdreg s5  }
0xb0: {  	[dreg:$0x4] =	wrdreg $0xC0  }
0xb1: {  	_ =	task [dreg:s7], $0x5FFFF  }
0xb2: {  	[dreg:$0x1] =	wrdreg $0xFFFFFFFF  }
0xb3: {  	[dreg:$0x0] =	wrdreg $0x60  }
0xb4: {  	[dreg:$0x2] =	wrdreg s16  }
0xb5: {  	[dreg:$0x3] =	wrdreg s24  }
0xb6: {  	[dreg:$0x4] =	wrdreg $0x9  }
0xb7: {  	_ =	task.clear_ibuf [dreg:s7], $0x5FFFF;
	_ =	strace $0x90000046  }
0xb8: {  	s29 =	simm.s32 $0x9;
	_ =	strace $0x80000048  }
0xb9: {  	_ =	swait.ge [sflag:s29], $0x1  }
0xba: {  	[sflag:s29] =	ssyncadd.s32 $0xFFFFFFFF  }
0xbb: {  	_ =	strace $0x90000048  }
0xbc: {  	_ =	sfence  }
0xbd: {  	s30 =	sld [smem:$0x0];
	_ =	sdelay $0x2  }
0xbe: {  	s31 =	sshll.u32 s1, $0xD;
	s1 =	sshrl.u32 s1, $0x2  }
0xbf: {  	s3 =	sand.u32 $0x4000, s31;
	s1 =	sadd.s32 s1, s30  }
0xc0: {  	s0 =	sor.u32 s3, s0;
	s1 =	sshll.u32 s1, $0x11  }
0xc1: {  	s0 =	sor.u32 s1, s0  }
0xc2: {  	s0 =	sadd.s32 $0x8F2B, s0  }
0xc3: {  	[sflag:s0] =	ssyncadd.remote.s32 $0x1  }
0xc4: {  	_ =	sfence.sel $0xFFFF  }
0xc5: {  	[dreg:$0x0] =	wrdreg $0xFFFFFFFF;
	(pc) =	sbr.abs _section_cstart, $3  }
0xc6: {  	[dreg:$0x1] =	wrdreg $0xFFFFFFFF  }
0xc7: {  	_ =	task.clear_ibuf [dreg:s7], $0x2FFFF;
	_ =	strace $0x9FFFFFFF  }
0xc8: {  	(tm) =	ssettm $0x7FFFFFFF  }
0xc9: {  	_ =	shalt  }
tec
execute0_lowered:
.L_overlay_start_1:
0x0: {  	(tag) =	ssettag $0x1  }
0x1: {  	s1 =	srdreg.scid;
	s2 =	rddreg [dreg:$0x0]  }
0x2: {  	s0 =	stileid.u32;
	s6 =	rddreg [dreg:$0x1]  }
0x3: {  	s3 =	simm.s32 $0x0;
	s11 =	simm.s32 $0x2;
	s12 =	simm.s32 $0x80  }
0x4: {  	s13 =	simm.s32 $0x1900;
	s14 =	simm.s32 $0x5900;
	s15 =	simm.s32 $0x9900  }
0x5: {  	s16 =	simm.s32 $0xD900;
	s4 =	sand.u32 $0x1, s1;
	s30 =	sshll.u32 s0, $0x1  }
0x6: {  	s17 =	simm.s32 $0x1;
	s1 =	rddreg [dreg:$0x2];
	s5 =	sor.u32 s4, s30  }
0x7: {  	s18 =	simm.s32 $0x0;
	[smem:$0x7FF] =	sst s3;
	s7 =	smul.u32 $0x320, s5  }
0x8: {  	s8 =	ssub.s32 $0x2, s4;
	_ =	strace $0x80000047;
	s9 =	smul.u32 $0x64000, s5  }
0x9: {  	s4 =	sadd.s32 $0x6C00, s6;
	s10 =	sshrl.u32 s8, $0x1;
	s5 =	smul.u32 $0x19, s5  }
0xa: {  	s10 =	ssub.s32 s8, s10;
	s7 =	sadd.s32 s7, s6;
	s31 =	sshrl.u32 s9, $0x3  }
0xb: {  	s6 =	sadd.s32 $0x6C08, s6;
	s10 =	smax.u32 s10, $0x1;
	s9 =	sadd.s32 $0xC000, s31  }
0xc: {  	s7 =	sadd.s32 $0x800, s7;
	s8 =	sadd.s32 s4, s9;
	s9 =	sadd.s32 s9, s6  }
.LBB2_1:
0xd: {  	[tilespmem:s3], [sflag:$0x2] =	stream.linear.gather [hbm4b:s7+s3], $0x1900, $0x38;
	[tilespmem:$0x11900] =	vst v63  }
0xe: {  	_ =	swait.ge [sflag:s11], $0x1900  }
0xf: {  	[sflag:s11] =	ssyncset.done $0x0  }
0x10: {  	[sflag:s11] =	ssyncadd.s32 $0xFFFFE700  }
0x11: {  	[tilespmem:s13], [sflag:$0x1] =	stream.indirect.gather [hbm4b:s2+s12], $0x80, s3, s12, $0xb8;
	[tilespmem:$0x11900] =	vst v63  }
0x12: {  	s19 =	simm.s32 $0x0  }
0x13: {  	[tilespmem:s14], [sflag:$0x1] =	stream.indirect.gather [hbm4b:s2+s12], $0x80, s12, s12, $0xb8;
	[tilespmem:$0x11900] =	vst v63  }
.LBB2_2:
0x14: {  	s20 =	sshllo.u32 s19, $0x1  }
0x15: {  	s21 =	sshll.u32 s20, $0x8  }
0x16: {  	s21 =	sand.u32 $0x3FFFFF00, s21  }
0x17: {  	[tilespmem:s15], [sflag:$0x1] =	stream.indirect.gather [hbm4b:s2+s12], $0x80, s21, s12, $0xb8;
	[tilespmem:$0x11900] =	vst v63  }
0x18: {  	s21 =	sor.u32 $0x80, s21  }
0x19: {  	[tilespmem:s16], [sflag:$0x1] =	stream.indirect.gather [hbm4b:s2+s12], $0x80, s21, s12, $0xb8;
	[tilespmem:$0x11900] =	vst v63  }
0x1a: {  	_ =	swait.ge [sflag:s17], $0x4000  }
0x1b: {  	s31 =	sshll.u32 s19, $0x1;
	[sflag:s17] =	ssyncset.done $0x0  }
0x1c: {  	s21 =	sadd.s32 s5, s31;
	[sflag:s17] =	ssyncadd.s32 $0xFFFFC000  }
0x1d: {  	s23 =	simm.s32 $0x1900;
	s21 =	sshll.u32 s21, $0xB;
	_ =	swait.ge [sflag:s17], $0x4000  }
0x1e: {  	s24 =	simm.s32 $0x10;
	s22 =	sadd.s32 s4, s21;
	[sflag:s17] =	ssyncset.done $0x0  }
0x1f: {  	s25 =	simm.s32 $0x1980;
	s26 =	sadd.s32 $0x0, s22;
	[sflag:s17] =	ssyncadd.s32 $0xFFFFC000  }
.LBB2_3:
0x20: {  	[hbm4b:s26+s3] =	stream.linear.scatter [tilespmem:s23], [sflag:$0x2], $0x40, $0x38;
	[tilespmem:$0x11900] =	vst v63  }
0x21: {  	s26 =	smov.u32 s24;
	s23 =	smov.u32 s25;
	p0 =	sne.s32 s24, $0x7F0  }
.Ltmp0:
0x22: {  	s24 =	sadd.s32 $0x10, s24;
	(pc) =	sbr.rel @p0 .LBB2_3-.Ltmp0, $2  }
0x23: {  	_ =	sdelay $0x2  }
0x24: {  	s25 =	sadd.s32 $0x80, s25;
	s26 =	sadd.s32 s26, s22  }
0x25: {  	[hbm4b:s26+s3] =	stream.linear.scatter [tilespmem:s23], [sflag:$0x2], $0x40, $0x38;
	[tilespmem:$0x11900] =	vst v63  }
0x26: {  	s21 =	sadd.s32 s21, s6;
	_ =	swait.ge [sflag:s11], $0x2000  }
0x27: {  	s22 =	simm.s32 $0x5900;
	s23 =	simm.s32 $0x10;
	[sflag:s11] =	ssyncset.done $0x0  }
0x28: {  	s24 =	simm.s32 $0x5980;
	s25 =	sadd.s32 $0x0, s21;
	[sflag:s11] =	ssyncadd.s32 $0xFFFFE000  }
.LBB2_5:
0x29: {  	[hbm4b:s25+s3] =	stream.linear.scatter [tilespmem:s22], [sflag:$0x2], $0x40, $0x38;
	[tilespmem:$0x11900] =	vst v63  }
0x2a: {  	s25 =	smov.u32 s23;
	s22 =	smov.u32 s24;
	p0 =	sne.s32 s23, $0x7F0  }
.Ltmp1:
0x2b: {  	s23 =	sadd.s32 $0x10, s23;
	(pc) =	sbr.rel @p0 .LBB2_5-.Ltmp1, $2  }
0x2c: {  	_ =	sdelay $0x2  }
0x2d: {  	s24 =	sadd.s32 $0x80, s24;
	s25 =	sadd.s32 s25, s21  }
0x2e: {  	[hbm4b:s25+s3] =	stream.linear.scatter [tilespmem:s22], [sflag:$0x2], $0x40, $0x38;
	[tilespmem:$0x11900] =	vst v63  }
0x2f: {  	s21 =	sshll.u32 s19, $0x9;
	_ =	swait.ge [sflag:s11], $0x2000  }
0x30: {  	s21 =	sand.u32 $0x3FFFFE00, s21;
	[sflag:s11] =	ssyncset.done $0x0  }
0x31: {  	s31 =	sadd.s32 $0x200, s21;
	[sflag:s11] =	ssyncadd.s32 $0xFFFFE000  }
0x32: {  	[tilespmem:s13], [sflag:$0x1] =	stream.indirect.gather [hbm4b:s2+s12], $0x80, s31, s12, $0xb8;
	[tilespmem:$0x11900] =	vst v63  }
0x33: {  	s21 =	sadd.s32 $0x280, s21  }
0x34: {  	[tilespmem:s14], [sflag:$0x1] =	stream.indirect.gather [hbm4b:s2+s12], $0x80, s21, s12, $0xb8;
	[tilespmem:$0x11900] =	vst v63  }
0x35: {  	_ =	swait.ge [sflag:s17], $0x4000  }
0x36: {  	[sflag:s17] =	ssyncset.done $0x0  }
0x37: {  	s20 =	sadd.s32 s5, s20;
	[sflag:s17] =	ssyncadd.s32 $0xFFFFC000  }
0x38: {  	s22 =	simm.s32 $0x9900;
	s20 =	sshll.u32 s20, $0xB;
	_ =	swait.ge [sflag:s17], $0x4000  }
0x39: {  	s23 =	simm.s32 $0x10;
	s21 =	sadd.s32 s4, s20;
	[sflag:s17] =	ssyncset.done $0x0  }
0x3a: {  	s24 =	simm.s32 $0x9980;
	s25 =	sadd.s32 $0x0, s21;
	[sflag:s17] =	ssyncadd.s32 $0xFFFFC000  }
.LBB2_7:
0x3b: {  	[hbm4b:s25+s3] =	stream.linear.scatter [tilespmem:s22], [sflag:$0x2], $0x40, $0x38;
	[tilespmem:$0x11900] =	vst v63  }
0x3c: {  	s25 =	smov.u32 s23;
	s22 =	smov.u32 s24;
	p0 =	sne.s32 s23, $0x7F0  }
.Ltmp2:
0x3d: {  	s23 =	sadd.s32 $0x10, s23;
	(pc) =	sbr.rel @p0 .LBB2_7-.Ltmp2, $2  }
0x3e: {  	_ =	sdelay $0x2  }
0x3f: {  	s24 =	sadd.s32 $0x80, s24;
	s25 =	sadd.s32 s25, s21  }
0x40: {  	[hbm4b:s25+s3] =	stream.linear.scatter [tilespmem:s22], [sflag:$0x2], $0x40, $0x38;
	[tilespmem:$0x11900] =	vst v63  }
0x41: {  	s20 =	sadd.s32 s20, s6;
	_ =	swait.ge [sflag:s11], $0x2000  }
0x42: {  	s21 =	simm.s32 $0xD900;
	s22 =	simm.s32 $0x10;
	[sflag:s11] =	ssyncset.done $0x0  }
0x43: {  	s23 =	simm.s32 $0xD980;
	s24 =	sadd.s32 $0x0, s20;
	[sflag:s11] =	ssyncadd.s32 $0xFFFFE000  }
.LBB2_9:
0x44: {  	[hbm4b:s24+s3] =	stream.linear.scatter [tilespmem:s21], [sflag:$0x2], $0x40, $0x38;
	[tilespmem:$0x11900] =	vst v63  }
0x45: {  	s24 =	smov.u32 s22;
	s21 =	smov.u32 s23;
	p0 =	sne.s32 s22, $0x7F0  }
.Ltmp3:
0x46: {  	s22 =	sadd.s32 $0x10, s22;
	(pc) =	sbr.rel @p0 .LBB2_9-.Ltmp3, $2  }
0x47: {  	_ =	sdelay $0x2  }
0x48: {  	s23 =	sadd.s32 $0x80, s23;
	s24 =	sadd.s32 s24, s20  }
0x49: {  	s19 =	sadd.s32 $0x1, s19  }
0x4a: {  	p0 =	sne.s32 s19, $0xC  }
.Ltmp4:
0x4b: {  	_ = 	snop;
	(pc) =	sbr.rel @p0 .LBB2_2-.Ltmp4, $4  }
0x4c: {  	[hbm4b:s24+s3] =	stream.linear.scatter [tilespmem:s21], [sflag:$0x2], $0x40, $0x38;
	[tilespmem:$0x11900] =	vst v63  }
0x4d: {  	_ =	swait.ge [sflag:s11], $0x2000  }
0x4e: {  	[sflag:s11] =	ssyncset.done $0x0  }
0x4f: {  	[sflag:s11] =	ssyncadd.s32 $0xFFFFE000  }
0x50: {  	_ =	swait.ge [sflag:s17], $0x4000  }
0x51: {  	[sflag:s17] =	ssyncset.done $0x0  }
0x52: {  	[sflag:s17] =	ssyncadd.s32 $0xFFFFC000  }
0x53: {  	_ =	swait.ge [sflag:s17], $0x4000  }
0x54: {  	s19 =	simm.s32 $0x1900;
	s20 =	simm.s32 $0x10;
	[sflag:s17] =	ssyncset.done $0x0  }
0x55: {  	s22 =	sadd.s32 $0x0, s8;
	s21 =	simm.s32 $0x1980;
	[sflag:s17] =	ssyncadd.s32 $0xFFFFC000  }
.LBB2_12:
0x56: {  	[hbm4b:s22+s3] =	stream.linear.scatter [tilespmem:s19], [sflag:$0x2], $0x40, $0x38;
	[tilespmem:$0x11900] =	vst v63  }
0x57: {  	s22 =	smov.u32 s20;
	s19 =	smov.u32 s21;
	p0 =	sne.s32 s20, $0x7F0  }
.Ltmp5:
0x58: {  	s20 =	sadd.s32 $0x10, s20;
	(pc) =	sbr.rel @p0 .LBB2_12-.Ltmp5, $2  }
0x59: {  	_ =	sdelay $0x2  }
0x5a: {  	s21 =	sadd.s32 $0x80, s21;
	s22 =	sadd.s32 s22, s8  }
0x5b: {  	[hbm4b:s22+s3] =	stream.linear.scatter [tilespmem:s19], [sflag:$0x2], $0x40, $0x38;
	[tilespmem:$0x11900] =	vst v63  }
0x5c: {  	_ =	swait.ge [sflag:s11], $0x2000  }
0x5d: {  	s19 =	simm.s32 $0x5900;
	s20 =	simm.s32 $0x10;
	[sflag:s11] =	ssyncset.done $0x0  }
0x5e: {  	s22 =	sadd.s32 $0x0, s9;
	s21 =	simm.s32 $0x5980;
	[sflag:s11] =	ssyncadd.s32 $0xFFFFE000  }
.LBB2_14:
0x5f: {  	[hbm4b:s22+s3] =	stream.linear.scatter [tilespmem:s19], [sflag:$0x2], $0x40, $0x38;
	[tilespmem:$0x11900] =	vst v63  }
0x60: {  	s22 =	smov.u32 s20;
	s19 =	smov.u32 s21;
	p0 =	sne.s32 s20, $0x7F0  }
.Ltmp6:
0x61: {  	s20 =	sadd.s32 $0x10, s20;
	(pc) =	sbr.rel @p0 .LBB2_14-.Ltmp6, $2  }
0x62: {  	_ =	sdelay $0x2  }
0x63: {  	s21 =	sadd.s32 $0x80, s21;
	s22 =	sadd.s32 s22, s9  }
0x64: {  	s18 =	sadd.s32 $0x1, s18  }
0x65: {  	p0 =	sne.s32 s18, s10  }
.Ltmp7:
0x66: {  	_ = 	snop;
	(pc) =	sbr.rel @p0 .LBB2_1-.Ltmp7, $4  }
0x67: {  	[hbm4b:s22+s3] =	stream.linear.scatter [tilespmem:s19], [sflag:$0x2], $0x40, $0x38;
	[tilespmem:$0x11900] =	vst v63  }
0x68: {  	_ =	swait.ge [sflag:s11], $0x2000  }
0x69: {  	[sflag:s11] =	ssyncset.done $0x0  }
0x6a: {  	[sflag:s11] =	ssyncadd.s32 $0xFFFFE000  }
0x6b: {  	_ =	sfence.sel $0x180000  }
0x6c: {  	[bflag:$0x0] =	sbarrier.arrive $0xFFFF  }
0x6d: {  	p0 =	sne.s32 s0, $0x0;
	_ =	strace $0x90000047  }
0x6e: {  	s0 =	sadd.s32 @!p0 $0x100000, s1;
	[bflag:$0x2] =	sbarrier.arrive $0xFFFF  }
0x6f: {  	[sflag:s0] =	ssyncadd.tile.s32 @!p0 $0x1;
	_ =	shalt  }
.Lfunc_end2:
_tile_overlayer_lowered:
.L_overlay_start_2:
0x70: {  	(tag) =	ssettag $0x2  }
0x71: {  	s0 =	rddreg [dreg:$0x0];
	s2 =	stileid.u32  }
0x72: {  	s1 =	rddreg [dreg:$0x1];
	p0 =	sne.s32 s2, $0x0  }
0x73: {  	s3 =	rddreg [dreg:$0x2];
	[bflag:$0x3] =	sbarrier.arrive $0xFFFF;
	s2 =	simm.s32 @!p0 $0x1C02  }
0x74: {  	[timem:s3], [sflag:s2] =	dma.local @!p0 [hbm:s0], s1  }
0x75: {  	s0 =	simm.s32 @!p0 $0x2  }
0x76: {  	_ =	swait.ge @!p0 [sflag:s0], s1  }
0x77: {  	s1 =	ssub.s32 @!p0 $0x0, s1;
	[sflag:s0] =	ssyncset.done @!p0 $0x0  }
0x78: {  	[sflag:s0] =	ssyncadd.s32 @!p0 s1  }
0x79: {  	[bflag:$0x3] =	sbarrier.arrive $0xFFFF  }
0x7a: {  	_ =	shalt  }

</sc_bundles>
